<compile_context>
chip_gen: v7x
topology: tpu7x:2x2x1
jax: 0.10.2.dev20260603
libtpu: 0.0.44.dev20260713+nightly
codegen_flags: <defaults>
</compile_context>

<pallas_src>
import functools

import jax
import jax.numpy as jnp
from jax import lax
from jax.experimental import pallas as pl
from jax.experimental.pallas import tpu as pltpu
from jax.experimental.pallas import tpu_sc as plsc

NC, NS, LANES = 2, 16, 16

N = 10000
E = 160000
F = 256
M = 4096

NP = 10240

_mesh = plsc.VectorSubcoreMesh(core_axis_name="c", subcore_axis_name="s")


@functools.partial(
    pl.kernel,
    out_type=jax.ShapeDtypeStruct((2 * NP,), jnp.float32),
    mesh=_mesh,
    scratch_types=[
        pltpu.VMEM((128,), jnp.int32),
        pltpu.VMEM((128,), jnp.int32),
        pltpu.VMEM((128,), jnp.float32),
        pltpu.VMEM((640,), jnp.float32),
    ],
)
def _mask_kernel(posflat_hbm, mask_hbm, idx_v, fidx_v, ones_v, zeros_v):
    c = lax.axis_index("c")
    s = lax.axis_index("s")

    def fill_ones(i, carry):
        ones_v[pl.ds(i * 16, 16)] = jnp.full((16,), 1.0, jnp.float32)
        return carry

    lax.fori_loop(0, 8, fill_ones, 0)

    def fill_zeros(i, carry):
        zeros_v[pl.ds(i * 16, 16)] = jnp.zeros((16,), jnp.float32)
        return carry

    lax.fori_loop(0, 40, fill_zeros, 0)

    pltpu.sync_copy(zeros_v, mask_hbm.at[pl.ds(c * NP + s * 640, 640)])
    plsc.subcore_barrier()

    mpt = M // NS

    def chunk(k, carry):
        off = c * M + s * mpt + k * 128
        pltpu.sync_copy(posflat_hbm.at[pl.ds(off, 128)], idx_v)

        def addoff(j, cc):
            fidx_v[pl.ds(j * 16, 16)] = idx_v[pl.ds(j * 16, 16)] + c * NP
            return cc

        lax.fori_loop(0, 8, addoff, 0)
        pltpu.sync_copy(ones_v, mask_hbm.at[fidx_v])
        return carry

    lax.fori_loop(0, mpt // 128, chunk, 0)


ECH = 128
NCHUNK = E // ECH


@functools.partial(
    pl.kernel,
    out_type=jax.ShapeDtypeStruct((E, F), jnp.float32),
    mesh=_mesh,
    scratch_types=[
        pltpu.VMEM((ECH,), jnp.int32),
        pltpu.VMEM((ECH, F), jnp.float32),
        pltpu.SemaphoreType.DMA,
    ],
)
def _msgs_kernel(xt_hbm, src_hbm, msgs_hbm, idx_v, rows_v, sem):
    c = lax.axis_index("c")
    s = lax.axis_index("s")
    wid = c * NS + s

    def ch(i, carry):
        k = wid + i * (NC * NS)

        @pl.when(k < NCHUNK)
        def _():
            r0 = k * ECH
            pltpu.sync_copy(src_hbm.at[pl.ds(r0, ECH)], idx_v)
            pltpu.async_copy(xt_hbm.at[idx_v], rows_v, sem).wait()
            pltpu.sync_copy(rows_v, msgs_hbm.at[pl.ds(r0, ECH)])

        return carry

    lax.fori_loop(0, (NCHUNK + NC * NS - 1) // (NC * NS), ch, 0)


@functools.partial(
    pl.kernel,
    out_type=(
        jax.ShapeDtypeStruct((4 * M, F), jnp.float32),
        jax.ShapeDtypeStruct((4 * M,), jnp.float32),
    ),
    mesh=_mesh,
    scratch_types=[
        pltpu.VMEM((128,), jnp.int32),
        pltpu.VMEM((128, F), jnp.float32),
        pltpu.VMEM((128,), jnp.float32),
        pltpu.SemaphoreType.DMA,
    ],
)
def _gather_kernel(table_hbm, pf_hbm, mf_hbm, mask_hbm, g_hbm, mv_hbm,
                   idx_v, rows_v, mrow_v, sem):
    c = lax.axis_index("c")
    s = lax.axis_index("s")
    wid = c * NS + s
    rpw = (4 * M) // (NC * NS)

    def ch(k, carry):
        r0 = wid * rpw + k * 128
        pltpu.sync_copy(pf_hbm.at[pl.ds(r0, 128)], idx_v)
        pltpu.async_copy(table_hbm.at[idx_v], rows_v, sem).wait()
        pltpu.sync_copy(rows_v, g_hbm.at[pl.ds(r0, 128)])
        pltpu.sync_copy(mf_hbm.at[pl.ds(r0, 128)], idx_v)
        pltpu.async_copy(mask_hbm.at[idx_v], mrow_v, sem).wait()
        pltpu.sync_copy(mrow_v, mv_hbm.at[pl.ds(r0, 128)])
        return carry

    lax.fori_loop(0, rpw // 128, ch, 0)


EB = 4000
NSTEP = E // EB


def _segsum_body(dst_smem, msgs_ref, agg_ref, deg_ref, acc_ref, dacc_s):
    i = pl.program_id(0)

    @pl.when(i == 0)
    def _():
        acc_ref[...] = jnp.zeros((N, F), jnp.float32)

        def zd(n, carry):
            dacc_s[0, n] = 0.0
            return carry

        lax.fori_loop(0, N, zd, 0)

    def edge(e, carry):
        d = dst_smem[0, 0, e]
        acc_ref[pl.ds(d, 1), :] = (
            acc_ref[pl.ds(d, 1), :] + msgs_ref[pl.ds(e, 1), :])
        dacc_s[0, d] = dacc_s[0, d] + 1.0
        return carry

    lax.fori_loop(0, EB, edge, 0)

    @pl.when(i == NSTEP - 1)
    def _():
        agg_ref[...] = acc_ref[...]

        def wd(n, carry):
            deg_ref[0, n] = dacc_s[0, n]
            return carry

        lax.fori_loop(0, N, wd, 0)


def _segsum_call(msgs, dstb):
    return pl.pallas_call(
        _segsum_body,
        grid=(NSTEP,),
        in_specs=[
            pl.BlockSpec((1, 1, EB), lambda i: (i, 0, 0),
                         memory_space=pltpu.SMEM),
            pl.BlockSpec((EB, F), lambda i: (i, 0)),
        ],
        out_specs=(
            pl.BlockSpec((N, F), lambda i: (0, 0)),
            pl.BlockSpec((1, N), lambda i: (0, 0),
                         memory_space=pltpu.SMEM),
        ),
        out_shape=(
            jax.ShapeDtypeStruct((N, F), jnp.float32),
            jax.ShapeDtypeStruct((1, N), jnp.float32),
        ),
        scratch_shapes=[
            pltpu.VMEM((N, F), jnp.float32),
            pltpu.SMEM((1, N), jnp.float32),
        ],
    )(dstb, msgs)


BLK = 1000


def _layer0_body(x_ref, w0_ref, b0_ref, w1_ref, b1_ref, m0_ref, m1_ref,
                 o0_ref, o1_ref):
    xx = x_ref[...]
    y0 = jnp.dot(xx, w0_ref[...], preferred_element_type=jnp.float32) + b0_ref[...]
    y1 = jnp.dot(xx, w1_ref[...], preferred_element_type=jnp.float32) + b1_ref[...]
    d = y1 - y0
    o0_ref[...] = y0 + m0_ref[...] * d
    o1_ref[...] = y0 + m1_ref[...] * d


def _layer0_call(x, w0, b0, w1, b1, m0, m1):
    grid = (N // BLK,)
    row = pl.BlockSpec((BLK, F), lambda i: (i, 0))
    full = pl.BlockSpec((F, F), lambda i: (0, 0))
    bias = pl.BlockSpec((1, F), lambda i: (0, 0))
    mspec = pl.BlockSpec((BLK, 1), lambda i: (i, 0))
    return pl.pallas_call(
        _layer0_body,
        grid=grid,
        in_specs=[row, full, bias, full, bias, mspec, mspec],
        out_specs=(row, row),
        out_shape=(
            jax.ShapeDtypeStruct((N, F), jnp.float32),
            jax.ShapeDtypeStruct((N, F), jnp.float32),
        ),
    )(x, w0, b0, w1, b1, m0, m1)


def _conv_body(agg_ref, deg_ref, wc_ref, bc_ref, o_ref):
    a = agg_ref[...] / jnp.maximum(deg_ref[...], 1.0)
    y = jnp.dot(a, wc_ref[...], preferred_element_type=jnp.float32) + bc_ref[...]
    o_ref[...] = jnp.maximum(y, 0.0)


def _conv_call(agg, deg, wc, bc):
    grid = (N // BLK,)
    row = pl.BlockSpec((BLK, F), lambda i: (i, 0))
    full = pl.BlockSpec((F, F), lambda i: (0, 0))
    bias = pl.BlockSpec((1, F), lambda i: (0, 0))
    dspec = pl.BlockSpec((BLK, 1), lambda i: (i, 0))
    return pl.pallas_call(
        _conv_body,
        grid=grid,
        in_specs=[row, dspec, full, bias],
        out_specs=row,
        out_shape=jax.ShapeDtypeStruct((N, F), jnp.float32),
    )(agg, deg, wc, bc)


def _final_body(g_ref, m_ref, w0_ref, b0_ref, w1_ref, b1_ref, o_ref):
    g = g_ref[...]
    y0 = jnp.dot(g, w0_ref[...], preferred_element_type=jnp.float32) + b0_ref[...]
    y1 = jnp.dot(g, w1_ref[...], preferred_element_type=jnp.float32) + b1_ref[...]
    o_ref[...] = y0 + m_ref[...] * (y1 - y0)


def _final_call(g, m, w0, b0, w1, b1):
    R = 4 * M
    blk = 1024
    grid = (R // blk,)
    row = pl.BlockSpec((blk, F), lambda i: (i, 0))
    full = pl.BlockSpec((F, F), lambda i: (0, 0))
    bias = pl.BlockSpec((1, F), lambda i: (0, 0))
    mspec = pl.BlockSpec((blk, 1), lambda i: (i, 0))
    return pl.pallas_call(
        _final_body,
        grid=grid,
        in_specs=[row, mspec, full, bias, full, bias],
        out_specs=row,
        out_shape=jax.ShapeDtypeStruct((R, F), jnp.float32),
    )(g, m, w0, b0, w1, b1)


def kernel(x, edge_index, pos, Wc, bc, W0, b0, W1, b1):
    src = edge_index[0]
    dst = edge_index[1]
    dstb = dst.reshape(NSTEP, 1, EB)
    posflat = pos.T.reshape(-1)

    maskflat = _mask_kernel(posflat)
    m0 = maskflat[0:N].reshape(N, 1)
    m1 = maskflat[NP:NP + N].reshape(N, 1)

    x00, x01 = _layer0_call(x, W0[0], b0[0].reshape(1, F), W1[0],
                            b1[0].reshape(1, F), m0, m1)

    msgs0 = _msgs_kernel(x00, src)
    msgs1 = _msgs_kernel(x01, src)
    agg0, deg = _segsum_call(msgs0, dstb)
    agg1, _deg1 = _segsum_call(msgs1, dstb)

    degc = deg.reshape(N, 1)
    xb0 = _conv_call(agg0, degc, Wc[0], bc[0].reshape(1, F))
    xb1 = _conv_call(agg1, degc, Wc[0], bc[0].reshape(1, F))

    table = jnp.concatenate([xb0, xb1], axis=0)
    p0 = pos.reshape(-1)
    p1 = pos[:, ::-1].reshape(-1)
    pf = jnp.concatenate([p0, N + p1])
    mf = jnp.concatenate([p0, NP + p1])

    g, mv = _gather_kernel(table, pf, mf, maskflat)

    res = _final_call(g, mv.reshape(4 * M, 1), W0[1], b0[1].reshape(1, F),
                      W1[1], b1[1].reshape(1, F))
    return res.reshape(2, M, 2, F).transpose(1, 2, 0, 3)

# --- scband reference (transcript-rebuilt; emitter-appended) ---
"""Pipeline reference for scband-plabeling-net2-set-41351945126315 (READ-ONLY COPY).

The authoritative reference and input builder live on the scoring server;
editing this copy changes nothing except your own understanding.
"""

import jax, jax.numpy as jnp
import numpy as np

N = 10000
E = 160000
F = 256
M = 4096
L = 2


def setup_inputs(seed: int = 0) -> dict:
    key = jax.random.key(seed)
    ks = jax.random.split(key, 10)
    x = jax.random.normal(ks[0], (N, F), dtype=jnp.float32)
    edge_index = jax.random.randint(ks[1], (2, E), 0, N, dtype=jnp.int32)
    pos = jax.random.randint(ks[2], (M, 2), 0, N, dtype=jnp.int32)
    s = 1.0 / np.sqrt(F)
    Wc = jax.random.uniform(ks[3], (L, F, F), minval=-s, maxval=s, dtype=jnp.float32)
    bc = jax.random.uniform(ks[4], (L, F), minval=-s, maxval=s, dtype=jnp.float32)
    W0 = jax.random.uniform(ks[5], (L, F, F), minval=-s, maxval=s, dtype=jnp.float32)
    b0 = jax.random.uniform(ks[6], (L, F), minval=-s, maxval=s, dtype=jnp.float32)
    W1 = jax.random.uniform(ks[7], (L, F, F), minval=-s, maxval=s, dtype=jnp.float32)
    b1 = jax.random.uniform(ks[8], (L, F), minval=-s, maxval=s, dtype=jnp.float32)
    return {"x": x, "edge_index": edge_index, "pos": pos, "Wc": Wc, "bc": bc,
            "W0": W0, "b0": b0, "W1": W1, "b1": b1}


def _linear(x, W, b):
    return x @ W + b


def _conv(x, src, dst, W, b):
    # GCN-style mean-aggregation conv applied to batched node features x: (2, N, F)
    msgs = x[:, src, :]  # gather (2, E, F)
    agg = jax.vmap(lambda m: jax.ops.segment_sum(m, dst, num_segments=N))(msgs)
    deg = jax.ops.segment_sum(jnp.ones((E,), jnp.float32), dst, num_segments=N)
    agg = agg / jnp.clip(deg, 1.0, None)[None, :, None]
    return jax.nn.relu(agg @ W + b)


def reference(x, edge_index, pos, Wc, bc, W0, b0, W1, b1):
    idx = pos.T  # (2, M)
    src, dst = edge_index[0], edge_index[1]
    xb = jnp.stack([x, x], axis=0)  # (2, N, F) == unsqueeze(0).repeat(2,1,1)
    x0 = xb
    for i in range(L):
        x0 = _linear(xb, W0[i], b0[i])
        x0 = x0.at[0, idx[0]].set(_linear(xb[0, idx[0]], W1[i], b1[i]))
        x0 = x0.at[1, idx[1]].set(_linear(xb[1, idx[1]], W1[i], b1[i]))
        xb = _conv(x0, src, dst, Wc[i], bc[i])
    out = jnp.stack([x0[0][idx], x0[1][idx[::-1]]], axis=0)  # (2, 2, M, F)
    return jnp.swapaxes(out, 0, 2)  # (M, 2, 2, F)

if __name__ == "__main__":
    import jax
    _d = setup_inputs()
    print(jax.jit(kernel)(*tuple(_d.values())))

</pallas_src>

<mosaic_0001>
#map = affine_map<(d0, d1) -> (0)>
module attributes {stable_mosaic.version = 14 : i64} {
  func.func @_mask_kernel(%arg0: i32, %arg1: i32, %arg2: memref<8192xi32, #tpu.memory_space<hbm>>, %arg3: memref<20480xf32, #tpu.memory_space<hbm>>, %arg4: memref<128xi32, #tpu.memory_space<vmem>>, %arg5: memref<128xi32, #tpu.memory_space<vmem>>, %arg6: memref<128xf32, #tpu.memory_space<vmem>>, %arg7: memref<640xf32, #tpu.memory_space<vmem>>) attributes {dimension_semantics = [#tpu.dimension_semantics<core_parallel>, #tpu.dimension_semantics<subcore_parallel>], iteration_bounds = array<i64: 2, 16>, scalar_prefetch = 0 : i64, scratch_operands = 4 : i64, tpu.core_type = #tpu.core_type<sc_vector_subcore>, window_params = [{transform_indices = #map}, {transform_indices = #map}]} {
    %scan3A = arith.constant 0 : i32
    %scan3A_0 = arith.constant 0 : i32
    %scan3A_1 = arith.constant 8 : i32
    %scan3A_2 = arith.addi %scan3A_0, %scan3A_1 : i32
    %scan3A_3 = arith.constant 1 : i32
    scf.for %scan3A_20 = %scan3A_0 to %scan3A_2 step %scan3A_3  : i32 {
      %broadcast_in_dim3A = arith.constant 1.000000e+00 : f32
      %broadcast_in_dim3A_21 = vector.broadcast %broadcast_in_dim3A : f32 to vector<16xf32>
      %mul3A_22 = arith.constant 16 : i32
      %mul3A_23 = arith.muli %scan3A_20, %mul3A_22 : i32
      %swap3A = arith.index_cast %mul3A_23 : i32 to index
      %swap3A_24 = tpu.vector_load %arg6[%swap3A] {strides = array<i32>} : memref<128xf32, #tpu.memory_space<vmem>>, vector<16xf32>,
      %swap3A_25 = vector.shape_cast %swap3A_24 : vector<16xf32> to vector<16xf32>
      %swap3A_26 = vector.shape_cast %broadcast_in_dim3A_21 : vector<16xf32> to vector<16xf32>
      tpu.vector_store %arg6[%swap3A], %swap3A_26 {strides = array<i32>} : memref<128xf32, #tpu.memory_space<vmem>>, vector<16xf32>,
    }
    %scan3A_4 = arith.constant 8 : i32
    %scan3A_5 = arith.constant 0 : i32
    %scan3A_6 = arith.constant 0 : i32
    %scan3A_7 = arith.constant 40 : i32
    %scan3A_8 = arith.addi %scan3A_6, %scan3A_7 : i32
    %scan3A_9 = arith.constant 1 : i32
    scf.for %scan3A_20 = %scan3A_6 to %scan3A_8 step %scan3A_9  : i32 {
      %broadcast_in_dim3A = arith.constant 0.000000e+00 : f32
      %broadcast_in_dim3A_21 = vector.broadcast %broadcast_in_dim3A : f32 to vector<16xf32>
      %mul3A_22 = arith.constant 16 : i32
      %mul3A_23 = arith.muli %scan3A_20, %mul3A_22 : i32
      %swap3A = arith.index_cast %mul3A_23 : i32 to index
      %swap3A_24 = tpu.vector_load %arg7[%swap3A] {strides = array<i32>} : memref<640xf32, #tpu.memory_space<vmem>>, vector<16xf32>,
      %swap3A_25 = vector.shape_cast %swap3A_24 : vector<16xf32> to vector<16xf32>
      %swap3A_26 = vector.shape_cast %broadcast_in_dim3A_21 : vector<16xf32> to vector<16xf32>
      tpu.vector_store %arg7[%swap3A], %swap3A_26 {strides = array<i32>} : memref<640xf32, #tpu.memory_space<vmem>>, vector<16xf32>,
    }
    %scan3A_10 = arith.constant 40 : i32
    %mul3A = arith.constant 10240 : i32
    %mul3A_11 = arith.muli %arg0, %mul3A : i32
    %mul3A_12 = arith.constant 640 : i32
    %mul3A_13 = arith.muli %arg1, %mul3A_12 : i32
    %add3A = arith.addi %mul3A_11, %mul3A_13 : i32
    "tpu.region"() ({
      %run_scoped3A = tpu.sem_alloc : memref<!tpu.dma_semaphore, #tpu.memory_space<semaphore_mem>>
      %dma_start3A = tpu.memref_slice %arg3[%add3A] : memref<20480xf32, #tpu.memory_space<hbm>> -> memref<640xf32, #tpu.memory_space<hbm>>
      %dma_start3A_20 = tpu.memref_slice %arg3[%add3A] : memref<20480xf32, #tpu.memory_space<hbm>> -> memref<640xf32, #tpu.memory_space<hbm>>
      tpu.enqueue_dma source(%arg7 : memref<640xf32, #tpu.memory_space<vmem>>) target(%dma_start3A_20 : memref<640xf32, #tpu.memory_space<hbm>>) target_semaphore(%run_scoped3A : memref<!tpu.dma_semaphore, #tpu.memory_space<semaphore_mem>>)
      %dma_wait3A = tpu.memref_slice %arg3[%add3A] : memref<20480xf32, #tpu.memory_space<hbm>> -> memref<640xf32, #tpu.memory_space<hbm>>
      %dma_wait3A_21 = tpu.memref_slice %arg3[%add3A] : memref<20480xf32, #tpu.memory_space<hbm>> -> memref<640xf32, #tpu.memory_space<hbm>>
      tpu.wait_dma2 semaphore(%run_scoped3A : memref<!tpu.dma_semaphore, #tpu.memory_space<semaphore_mem>>) src(%arg7 : memref<640xf32, #tpu.memory_space<vmem>>) dst(%dma_wait3A_21 : memref<640xf32, #tpu.memory_space<hbm>>)
      tpu.yield
    }) : () -> ()
    %barrier3A = arith.constant 0 : index
    tpu.barrier barrier_id(%barrier3A)
    %scan3A_14 = arith.constant 0 : i32
    %scan3A_15 = arith.constant 0 : i32
    %scan3A_16 = arith.constant 2 : i32
    %scan3A_17 = arith.addi %scan3A_15, %scan3A_16 : i32
    %scan3A_18 = arith.constant 1 : i32
    scf.for %scan3A_20 = %scan3A_15 to %scan3A_17 step %scan3A_18  : i32 {
      %mul3A_21 = arith.constant 4096 : i32
      %mul3A_22 = arith.muli %arg0, %mul3A_21 : i32
      %mul3A_23 = arith.constant 256 : i32
      %mul3A_24 = arith.muli %arg1, %mul3A_23 : i32
      %add3A_25 = arith.addi %mul3A_22, %mul3A_24 : i32
      %mul3A_26 = arith.constant 128 : i32
      %mul3A_27 = arith.muli %scan3A_20, %mul3A_26 : i32
      %add3A_28 = arith.addi %add3A_25, %mul3A_27 : i32
      "tpu.region"() ({
        %run_scoped3A = tpu.sem_alloc : memref<!tpu.dma_semaphore, #tpu.memory_space<semaphore_mem>>
        %dma_start3A = tpu.memref_slice %arg2[%add3A_28] : memref<8192xi32, #tpu.memory_space<hbm>> -> memref<128xi32, #tpu.memory_space<hbm>>
        %dma_start3A_35 = tpu.memref_slice %arg2[%add3A_28] : memref<8192xi32, #tpu.memory_space<hbm>> -> memref<128xi32, #tpu.memory_space<hbm>>
        tpu.enqueue_dma source(%dma_start3A_35 : memref<128xi32, #tpu.memory_space<hbm>>) target(%arg4 : memref<128xi32, #tpu.memory_space<vmem>>) target_semaphore(%run_scoped3A : memref<!tpu.dma_semaphore, #tpu.memory_space<semaphore_mem>>)
        %dma_wait3A = tpu.memref_slice %arg2[%add3A_28] : memref<8192xi32, #tpu.memory_space<hbm>> -> memref<128xi32, #tpu.memory_space<hbm>>
        %dma_wait3A_36 = tpu.memref_slice %arg2[%add3A_28] : memref<8192xi32, #tpu.memory_space<hbm>> -> memref<128xi32, #tpu.memory_space<hbm>>
        tpu.wait_dma2 semaphore(%run_scoped3A : memref<!tpu.dma_semaphore, #tpu.memory_space<semaphore_mem>>) src(%dma_wait3A_36 : memref<128xi32, #tpu.memory_space<hbm>>) dst(%arg4 : memref<128xi32, #tpu.memory_space<vmem>>)
        tpu.yield
      }) : () -> ()
      %scan3A_29 = arith.constant 0 : i32
      %scan3A_30 = arith.constant 0 : i32
      %scan3A_31 = arith.constant 8 : i32
      %scan3A_32 = arith.addi %scan3A_30, %scan3A_31 : i32
      %scan3A_33 = arith.constant 1 : i32
      scf.for %scan3A_35 = %scan3A_30 to %scan3A_32 step %scan3A_33  : i32 {
        %mul3A_36 = arith.constant 16 : i32
        %mul3A_37 = arith.muli %scan3A_35, %mul3A_36 : i32
        %get3A = arith.index_cast %mul3A_37 : i32 to index
        %get3A_38 = tpu.vector_load %arg4[%get3A] {strides = array<i32>} : memref<128xi32, #tpu.memory_space<vmem>>, vector<16xi32>,
        %get3A_39 = vector.shape_cast %get3A_38 : vector<16xi32> to vector<16xi32>
        %mul3A_40 = arith.constant 10240 : i32
        %mul3A_41 = arith.muli %arg0, %mul3A_40 : i32
        %add3A_42 = vector.broadcast %mul3A_41 : i32 to vector<16xi32>
        %add3A_43 = arith.addi %get3A_39, %add3A_42 : vector<16xi32>
        %mul3A_44 = arith.constant 16 : i32
        %mul3A_45 = arith.muli %scan3A_35, %mul3A_44 : i32
        %swap3A = arith.index_cast %mul3A_45 : i32 to index
        %swap3A_46 = tpu.vector_load %arg5[%swap3A] {strides = array<i32>} : memref<128xi32, #tpu.memory_space<vmem>>, vector<16xi32>,
        %swap3A_47 = vector.shape_cast %swap3A_46 : vector<16xi32> to vector<16xi32>
        %swap3A_48 = vector.shape_cast %add3A_43 : vector<16xi32> to vector<16xi32>
        tpu.vector_store %arg5[%swap3A], %swap3A_48 {strides = array<i32>} : memref<128xi32, #tpu.memory_space<vmem>>, vector<16xi32>,
      }
      %scan3A_34 = arith.constant 8 : i32
      "tpu.region"() ({
        %run_scoped3A = tpu.sem_alloc : memref<!tpu.dma_semaphore, #tpu.memory_space<semaphore_mem>>
        %dma_start3A = arith.constant 0 : i32
        %dma_start3A_35 = tpu.memref_slice %arg3[%dma_start3A] : memref<20480xf32, #tpu.memory_space<hbm>> -> memref<20480xf32, #tpu.memory_space<hbm>>
        tpu.enqueue_indirect_dma source(%arg6 : memref<128xf32, #tpu.memory_space<vmem>>) target(%dma_start3A_35 : memref<20480xf32, #tpu.memory_space<hbm>>) offsets(%arg5 : memref<128xi32, #tpu.memory_space<vmem>>) semaphore(%run_scoped3A : memref<!tpu.dma_semaphore, #tpu.memory_space<semaphore_mem>>)
        %dma_wait3A = arith.constant 0 : i32
        %dma_wait3A_36 = tpu.memref_slice %arg3[%dma_wait3A] : memref<20480xf32, #tpu.memory_space<hbm>> -> memref<20480xf32, #tpu.memory_space<hbm>>
        tpu.wait_indirect_dma semaphore(%run_scoped3A : memref<!tpu.dma_semaphore, #tpu.memory_space<semaphore_mem>>) src(%arg6 : memref<128xf32, #tpu.memory_space<vmem>>) dst(%dma_wait3A_36 : memref<20480xf32, #tpu.memory_space<hbm>>)
        tpu.yield
      }) : () -> ()
    }
    %scan3A_19 = arith.constant 2 : i32
    return
  }
}

#map = affine_map<(d0, d1) -> (0, 0)>
#map1 = affine_map<(d0, d1) -> (0)>
module attributes {stable_mosaic.version = 14 : i64} {
  func.func @_msgs_kernel(%arg0: i32, %arg1: i32, %arg2: memref<10000x256xf32, #tpu.memory_space<hbm>>, %arg3: memref<160000xi32, #tpu.memory_space<hbm>>, %arg4: memref<160000x256xf32, #tpu.memory_space<hbm>>, %arg5: memref<128xi32, #tpu.memory_space<vmem>>, %arg6: memref<128x256xf32, #tpu.memory_space<vmem>>, %arg7: memref<!tpu.dma_semaphore, #tpu.memory_space<semaphore_mem>>) attributes {dimension_semantics = [#tpu.dimension_semantics<core_parallel>, #tpu.dimension_semantics<subcore_parallel>], iteration_bounds = array<i64: 2, 16>, scalar_prefetch = 0 : i64, scratch_operands = 3 : i64, tpu.core_type = #tpu.core_type<sc_vector_subcore>, window_params = [{transform_indices = #map}, {transform_indices = #map1}, {transform_indices = #map}]} {
    %mul3A = arith.constant 16 : i32
    %mul3A_0 = arith.muli %arg0, %mul3A : i32
    %add3A = arith.addi %mul3A_0, %arg1 : i32
    %scan3A = arith.constant 0 : i32
    %scan3A_1 = arith.constant 0 : i32
    %scan3A_2 = arith.constant 40 : i32
    %scan3A_3 = arith.addi %scan3A_1, %scan3A_2 : i32
    %scan3A_4 = arith.constant 1 : i32
    scf.for %scan3A_6 = %scan3A_1 to %scan3A_3 step %scan3A_4  : i32 {
      %mul3A_7 = arith.constant 32 : i32
      %mul3A_8 = arith.muli %scan3A_6, %mul3A_7 : i32
      %add3A_9 = arith.addi %add3A, %mul3A_8 : i32
      %lt3A = arith.constant 1250 : i32
      %lt3A_10 = arith.cmpi slt, %add3A_9, %lt3A : i32
      %convert_element_type3A = arith.extui %lt3A_10 : i1 to i32
      %cond3A = arith.constant 0 : i32
      %cond3A_11 = arith.cmpi ne, %convert_element_type3A, %cond3A : i32
      scf.if %cond3A_11 {
        %mul3A_12 = arith.constant 128 : i32
        %mul3A_13 = arith.muli %add3A_9, %mul3A_12 : i32
        "tpu.region"() ({
          %run_scoped3A = tpu.sem_alloc : memref<!tpu.dma_semaphore, #tpu.memory_space<semaphore_mem>>
          %dma_start3A_18 = tpu.memref_slice %arg3[%mul3A_13] : memref<160000xi32, #tpu.memory_space<hbm>> -> memref<128xi32, #tpu.memory_space<hbm>>
          %dma_start3A_19 = tpu.memref_slice %arg3[%mul3A_13] : memref<160000xi32, #tpu.memory_space<hbm>> -> memref<128xi32, #tpu.memory_space<hbm>>
          tpu.enqueue_dma source(%dma_start3A_19 : memref<128xi32, #tpu.memory_space<hbm>>) target(%arg5 : memref<128xi32, #tpu.memory_space<vmem>>) target_semaphore(%run_scoped3A : memref<!tpu.dma_semaphore, #tpu.memory_space<semaphore_mem>>)
          %dma_wait3A_20 = tpu.memref_slice %arg3[%mul3A_13] : memref<160000xi32, #tpu.memory_space<hbm>> -> memref<128xi32, #tpu.memory_space<hbm>>
          %dma_wait3A_21 = tpu.memref_slice %arg3[%mul3A_13] : memref<160000xi32, #tpu.memory_space<hbm>> -> memref<128xi32, #tpu.memory_space<hbm>>
          tpu.wait_dma2 semaphore(%run_scoped3A : memref<!tpu.dma_semaphore, #tpu.memory_space<semaphore_mem>>) src(%dma_wait3A_21 : memref<128xi32, #tpu.memory_space<hbm>>) dst(%arg5 : memref<128xi32, #tpu.memory_space<vmem>>)
          tpu.yield
        }) : () -> ()
        %dma_start3A = arith.constant 0 : i32
        %dma_start3A_14 = arith.constant 0 : i32
        %dma_start3A_15 = tpu.memref_slice %arg2[%dma_start3A, %dma_start3A_14] : memref<10000x256xf32, #tpu.memory_space<hbm>> -> memref<10000x256xf32, #tpu.memory_space<hbm>>
        tpu.enqueue_indirect_dma source(%dma_start3A_15 : memref<10000x256xf32, #tpu.memory_space<hbm>>) target(%arg6 : memref<128x256xf32, #tpu.memory_space<vmem>>) offsets(%arg5 : memref<128xi32, #tpu.memory_space<vmem>>) semaphore(%arg7 : memref<!tpu.dma_semaphore, #tpu.memory_space<semaphore_mem>>)
        %dma_wait3A = arith.constant 0 : i32
        %dma_wait3A_16 = arith.constant 0 : i32
        %dma_wait3A_17 = tpu.memref_slice %arg2[%dma_wait3A, %dma_wait3A_16] : memref<10000x256xf32, #tpu.memory_space<hbm>> -> memref<10000x256xf32, #tpu.memory_space<hbm>>
        tpu.wait_indirect_dma semaphore(%arg7 : memref<!tpu.dma_semaphore, #tpu.memory_space<semaphore_mem>>) src(%dma_wait3A_17 : memref<10000x256xf32, #tpu.memory_space<hbm>>) dst(%arg6 : memref<128x256xf32, #tpu.memory_space<vmem>>)
        "tpu.region"() ({
          %run_scoped3A = tpu.sem_alloc : memref<!tpu.dma_semaphore, #tpu.memory_space<semaphore_mem>>
          %dma_start3A_18 = arith.constant 0 : i32
          %dma_start3A_19 = tpu.memref_slice %arg4[%mul3A_13, %dma_start3A_18] : memref<160000x256xf32, #tpu.memory_space<hbm>> -> memref<128x256xf32, #tpu.memory_space<hbm>>
          %dma_start3A_20 = arith.constant 0 : i32
          %dma_start3A_21 = tpu.memref_slice %arg4[%mul3A_13, %dma_start3A_20] : memref<160000x256xf32, #tpu.memory_space<hbm>> -> memref<128x256xf32, #tpu.memory_space<hbm>>
          tpu.enqueue_dma source(%arg6 : memref<128x256xf32, #tpu.memory_space<vmem>>) target(%dma_start3A_21 : memref<128x256xf32, #tpu.memory_space<hbm>>) target_semaphore(%run_scoped3A : memref<!tpu.dma_semaphore, #tpu.memory_space<semaphore_mem>>)
          %dma_wait3A_22 = arith.constant 0 : i32
          %dma_wait3A_23 = tpu.memref_slice %arg4[%mul3A_13, %dma_wait3A_22] : memref<160000x256xf32, #tpu.memory_space<hbm>> -> memref<128x256xf32, #tpu.memory_space<hbm>>
          %dma_wait3A_24 = arith.constant 0 : i32
          %dma_wait3A_25 = tpu.memref_slice %arg4[%mul3A_13, %dma_wait3A_24] : memref<160000x256xf32, #tpu.memory_space<hbm>> -> memref<128x256xf32, #tpu.memory_space<hbm>>
          tpu.wait_dma2 semaphore(%run_scoped3A : memref<!tpu.dma_semaphore, #tpu.memory_space<semaphore_mem>>) src(%arg6 : memref<128x256xf32, #tpu.memory_space<vmem>>) dst(%dma_wait3A_25 : memref<128x256xf32, #tpu.memory_space<hbm>>)
          tpu.yield
        }) : () -> ()
      } else {
      }
    }
    %scan3A_5 = arith.constant 40 : i32
    return
  }
}

#map = affine_map<(d0, d1) -> (0, 0)>
#map1 = affine_map<(d0, d1) -> (0)>
module attributes {stable_mosaic.version = 14 : i64} {
  func.func @_gather_kernel(%arg0: i32, %arg1: i32, %arg2: memref<20000x256xf32, #tpu.memory_space<hbm>>, %arg3: memref<16384xi32, #tpu.memory_space<hbm>>, %arg4: memref<16384xi32, #tpu.memory_space<hbm>>, %arg5: memref<20480xf32, #tpu.memory_space<hbm>>, %arg6: memref<16384x256xf32, #tpu.memory_space<hbm>>, %arg7: memref<16384xf32, #tpu.memory_space<hbm>>, %arg8: memref<128xi32, #tpu.memory_space<vmem>>, %arg9: memref<128x256xf32, #tpu.memory_space<vmem>>, %arg10: memref<128xf32, #tpu.memory_space<vmem>>, %arg11: memref<!tpu.dma_semaphore, #tpu.memory_space<semaphore_mem>>) attributes {dimension_semantics = [#tpu.dimension_semantics<core_parallel>, #tpu.dimension_semantics<subcore_parallel>], iteration_bounds = array<i64: 2, 16>, scalar_prefetch = 0 : i64, scratch_operands = 4 : i64, tpu.core_type = #tpu.core_type<sc_vector_subcore>, window_params = [{transform_indices = #map}, {transform_indices = #map1}, {transform_indices = #map1}, {transform_indices = #map1}, {transform_indices = #map}, {transform_indices = #map1}]} {
    %mul3A = arith.constant 16 : i32
    %mul3A_0 = arith.muli %arg0, %mul3A : i32
    %add3A = arith.addi %mul3A_0, %arg1 : i32
    %scan3A = arith.constant 0 : i32
    %scan3A_1 = arith.constant 0 : i32
    %scan3A_2 = arith.constant 4 : i32
    %scan3A_3 = arith.addi %scan3A_1, %scan3A_2 : i32
    %scan3A_4 = arith.constant 1 : i32
    scf.for %scan3A_6 = %scan3A_1 to %scan3A_3 step %scan3A_4  : i32 {
      %mul3A_7 = arith.constant 512 : i32
      %mul3A_8 = arith.muli %add3A, %mul3A_7 : i32
      %mul3A_9 = arith.constant 128 : i32
      %mul3A_10 = arith.muli %scan3A_6, %mul3A_9 : i32
      %add3A_11 = arith.addi %mul3A_8, %mul3A_10 : i32
      "tpu.region"() ({
        %run_scoped3A = tpu.sem_alloc : memref<!tpu.dma_semaphore, #tpu.memory_space<semaphore_mem>>
        %dma_start3A_20 = tpu.memref_slice %arg3[%add3A_11] : memref<16384xi32, #tpu.memory_space<hbm>> -> memref<128xi32, #tpu.memory_space<hbm>>
        %dma_start3A_21 = tpu.memref_slice %arg3[%add3A_11] : memref<16384xi32, #tpu.memory_space<hbm>> -> memref<128xi32, #tpu.memory_space<hbm>>
        tpu.enqueue_dma source(%dma_start3A_21 : memref<128xi32, #tpu.memory_space<hbm>>) target(%arg8 : memref<128xi32, #tpu.memory_space<vmem>>) target_semaphore(%run_scoped3A : memref<!tpu.dma_semaphore, #tpu.memory_space<semaphore_mem>>)
        %dma_wait3A_22 = tpu.memref_slice %arg3[%add3A_11] : memref<16384xi32, #tpu.memory_space<hbm>> -> memref<128xi32, #tpu.memory_space<hbm>>
        %dma_wait3A_23 = tpu.memref_slice %arg3[%add3A_11] : memref<16384xi32, #tpu.memory_space<hbm>> -> memref<128xi32, #tpu.memory_space<hbm>>
        tpu.wait_dma2 semaphore(%run_scoped3A : memref<!tpu.dma_semaphore, #tpu.memory_space<semaphore_mem>>) src(%dma_wait3A_23 : memref<128xi32, #tpu.memory_space<hbm>>) dst(%arg8 : memref<128xi32, #tpu.memory_space<vmem>>)
        tpu.yield
      }) : () -> ()
      %dma_start3A = arith.constant 0 : i32
      %dma_start3A_12 = arith.constant 0 : i32
      %dma_start3A_13 = tpu.memref_slice %arg2[%dma_start3A, %dma_start3A_12] : memref<20000x256xf32, #tpu.memory_space<hbm>> -> memref<20000x256xf32, #tpu.memory_space<hbm>>
      tpu.enqueue_indirect_dma source(%dma_start3A_13 : memref<20000x256xf32, #tpu.memory_space<hbm>>) target(%arg9 : memref<128x256xf32, #tpu.memory_space<vmem>>) offsets(%arg8 : memref<128xi32, #tpu.memory_space<vmem>>) semaphore(%arg11 : memref<!tpu.dma_semaphore, #tpu.memory_space<semaphore_mem>>)
      %dma_wait3A = arith.constant 0 : i32
      %dma_wait3A_14 = arith.constant 0 : i32
      %dma_wait3A_15 = tpu.memref_slice %arg2[%dma_wait3A, %dma_wait3A_14] : memref<20000x256xf32, #tpu.memory_space<hbm>> -> memref<20000x256xf32, #tpu.memory_space<hbm>>
      tpu.wait_indirect_dma semaphore(%arg11 : memref<!tpu.dma_semaphore, #tpu.memory_space<semaphore_mem>>) src(%dma_wait3A_15 : memref<20000x256xf32, #tpu.memory_space<hbm>>) dst(%arg9 : memref<128x256xf32, #tpu.memory_space<vmem>>)
      "tpu.region"() ({
        %run_scoped3A = tpu.sem_alloc : memref<!tpu.dma_semaphore, #tpu.memory_space<semaphore_mem>>
        %dma_start3A_20 = arith.constant 0 : i32
        %dma_start3A_21 = tpu.memref_slice %arg6[%add3A_11, %dma_start3A_20] : memref<16384x256xf32, #tpu.memory_space<hbm>> -> memref<128x256xf32, #tpu.memory_space<hbm>>
        %dma_start3A_22 = arith.constant 0 : i32
        %dma_start3A_23 = tpu.memref_slice %arg6[%add3A_11, %dma_start3A_22] : memref<16384x256xf32, #tpu.memory_space<hbm>> -> memref<128x256xf32, #tpu.memory_space<hbm>>
        tpu.enqueue_dma source(%arg9 : memref<128x256xf32, #tpu.memory_space<vmem>>) target(%dma_start3A_23 : memref<128x256xf32, #tpu.memory_space<hbm>>) target_semaphore(%run_scoped3A : memref<!tpu.dma_semaphore, #tpu.memory_space<semaphore_mem>>)
        %dma_wait3A_24 = arith.constant 0 : i32
        %dma_wait3A_25 = tpu.memref_slice %arg6[%add3A_11, %dma_wait3A_24] : memref<16384x256xf32, #tpu.memory_space<hbm>> -> memref<128x256xf32, #tpu.memory_space<hbm>>
        %dma_wait3A_26 = arith.constant 0 : i32
        %dma_wait3A_27 = tpu.memref_slice %arg6[%add3A_11, %dma_wait3A_26] : memref<16384x256xf32, #tpu.memory_space<hbm>> -> memref<128x256xf32, #tpu.memory_space<hbm>>
        tpu.wait_dma2 semaphore(%run_scoped3A : memref<!tpu.dma_semaphore, #tpu.memory_space<semaphore_mem>>) src(%arg9 : memref<128x256xf32, #tpu.memory_space<vmem>>) dst(%dma_wait3A_27 : memref<128x256xf32, #tpu.memory_space<hbm>>)
        tpu.yield
      }) : () -> ()
      "tpu.region"() ({
        %run_scoped3A = tpu.sem_alloc : memref<!tpu.dma_semaphore, #tpu.memory_space<semaphore_mem>>
        %dma_start3A_20 = tpu.memref_slice %arg4[%add3A_11] : memref<16384xi32, #tpu.memory_space<hbm>> -> memref<128xi32, #tpu.memory_space<hbm>>
        %dma_start3A_21 = tpu.memref_slice %arg4[%add3A_11] : memref<16384xi32, #tpu.memory_space<hbm>> -> memref<128xi32, #tpu.memory_space<hbm>>
        tpu.enqueue_dma source(%dma_start3A_21 : memref<128xi32, #tpu.memory_space<hbm>>) target(%arg8 : memref<128xi32, #tpu.memory_space<vmem>>) target_semaphore(%run_scoped3A : memref<!tpu.dma_semaphore, #tpu.memory_space<semaphore_mem>>)
        %dma_wait3A_22 = tpu.memref_slice %arg4[%add3A_11] : memref<16384xi32, #tpu.memory_space<hbm>> -> memref<128xi32, #tpu.memory_space<hbm>>
        %dma_wait3A_23 = tpu.memref_slice %arg4[%add3A_11] : memref<16384xi32, #tpu.memory_space<hbm>> -> memref<128xi32, #tpu.memory_space<hbm>>
        tpu.wait_dma2 semaphore(%run_scoped3A : memref<!tpu.dma_semaphore, #tpu.memory_space<semaphore_mem>>) src(%dma_wait3A_23 : memref<128xi32, #tpu.memory_space<hbm>>) dst(%arg8 : memref<128xi32, #tpu.memory_space<vmem>>)
        tpu.yield
      }) : () -> ()
      %dma_start3A_16 = arith.constant 0 : i32
      %dma_start3A_17 = tpu.memref_slice %arg5[%dma_start3A_16] : memref<20480xf32, #tpu.memory_space<hbm>> -> memref<20480xf32, #tpu.memory_space<hbm>>
      tpu.enqueue_indirect_dma source(%dma_start3A_17 : memref<20480xf32, #tpu.memory_space<hbm>>) target(%arg10 : memref<128xf32, #tpu.memory_space<vmem>>) offsets(%arg8 : memref<128xi32, #tpu.memory_space<vmem>>) semaphore(%arg11 : memref<!tpu.dma_semaphore, #tpu.memory_space<semaphore_mem>>)
      %dma_wait3A_18 = arith.constant 0 : i32
      %dma_wait3A_19 = tpu.memref_slice %arg5[%dma_wait3A_18] : memref<20480xf32, #tpu.memory_space<hbm>> -> memref<20480xf32, #tpu.memory_space<hbm>>
      tpu.wait_indirect_dma semaphore(%arg11 : memref<!tpu.dma_semaphore, #tpu.memory_space<semaphore_mem>>) src(%dma_wait3A_19 : memref<20480xf32, #tpu.memory_space<hbm>>) dst(%arg10 : memref<128xf32, #tpu.memory_space<vmem>>)
      "tpu.region"() ({
        %run_scoped3A = tpu.sem_alloc : memref<!tpu.dma_semaphore, #tpu.memory_space<semaphore_mem>>
        %dma_start3A_20 = tpu.memref_slice %arg7[%add3A_11] : memref<16384xf32, #tpu.memory_space<hbm>> -> memref<128xf32, #tpu.memory_space<hbm>>
        %dma_start3A_21 = tpu.memref_slice %arg7[%add3A_11] : memref<16384xf32, #tpu.memory_space<hbm>> -> memref<128xf32, #tpu.memory_space<hbm>>
        tpu.enqueue_dma source(%arg10 : memref<128xf32, #tpu.memory_space<vmem>>) target(%dma_start3A_21 : memref<128xf32, #tpu.memory_space<hbm>>) target_semaphore(%run_scoped3A : memref<!tpu.dma_semaphore, #tpu.memory_space<semaphore_mem>>)
        %dma_wait3A_22 = tpu.memref_slice %arg7[%add3A_11] : memref<16384xf32, #tpu.memory_space<hbm>> -> memref<128xf32, #tpu.memory_space<hbm>>
        %dma_wait3A_23 = tpu.memref_slice %arg7[%add3A_11] : memref<16384xf32, #tpu.memory_space<hbm>> -> memref<128xf32, #tpu.memory_space<hbm>>
        tpu.wait_dma2 semaphore(%run_scoped3A : memref<!tpu.dma_semaphore, #tpu.memory_space<semaphore_mem>>) src(%arg10 : memref<128xf32, #tpu.memory_space<vmem>>) dst(%dma_wait3A_23 : memref<128xf32, #tpu.memory_space<hbm>>)
        tpu.yield
      }) : () -> ()
    }
    %scan3A_5 = arith.constant 4 : i32
    return
  }
}

#map = affine_map<(d0, d1) -> (0, 0)>
#map1 = affine_map<(d0, d1) -> (0)>
module attributes {stable_mosaic.version = 14 : i64} {
  func.func @_msgs_kernel(%arg0: i32, %arg1: i32, %arg2: memref<10000x256xf32, #tpu.memory_space<hbm>>, %arg3: memref<160000xi32, #tpu.memory_space<hbm>>, %arg4: memref<160000x256xf32, #tpu.memory_space<hbm>>, %arg5: memref<128xi32, #tpu.memory_space<vmem>>, %arg6: memref<128x256xf32, #tpu.memory_space<vmem>>, %arg7: memref<!tpu.dma_semaphore, #tpu.memory_space<semaphore_mem>>) attributes {dimension_semantics = [#tpu.dimension_semantics<core_parallel>, #tpu.dimension_semantics<subcore_parallel>], iteration_bounds = array<i64: 2, 16>, scalar_prefetch = 0 : i64, scratch_operands = 3 : i64, tpu.core_type = #tpu.core_type<sc_vector_subcore>, window_params = [{transform_indices = #map}, {transform_indices = #map1}, {transform_indices = #map}]} {
    %mul3A = arith.constant 16 : i32
    %mul3A_0 = arith.muli %arg0, %mul3A : i32
    %add3A = arith.addi %mul3A_0, %arg1 : i32
    %scan3A = arith.constant 0 : i32
    %scan3A_1 = arith.constant 0 : i32
    %scan3A_2 = arith.constant 40 : i32
    %scan3A_3 = arith.addi %scan3A_1, %scan3A_2 : i32
    %scan3A_4 = arith.constant 1 : i32
    scf.for %scan3A_6 = %scan3A_1 to %scan3A_3 step %scan3A_4  : i32 {
      %mul3A_7 = arith.constant 32 : i32
      %mul3A_8 = arith.muli %scan3A_6, %mul3A_7 : i32
      %add3A_9 = arith.addi %add3A, %mul3A_8 : i32
      %lt3A = arith.constant 1250 : i32
      %lt3A_10 = arith.cmpi slt, %add3A_9, %lt3A : i32
      %convert_element_type3A = arith.extui %lt3A_10 : i1 to i32
      %cond3A = arith.constant 0 : i32
      %cond3A_11 = arith.cmpi ne, %convert_element_type3A, %cond3A : i32
      scf.if %cond3A_11 {
        %mul3A_12 = arith.constant 128 : i32
        %mul3A_13 = arith.muli %add3A_9, %mul3A_12 : i32
        "tpu.region"() ({
          %run_scoped3A = tpu.sem_alloc : memref<!tpu.dma_semaphore, #tpu.memory_space<semaphore_mem>>
          %dma_start3A_18 = tpu.memref_slice %arg3[%mul3A_13] : memref<160000xi32, #tpu.memory_space<hbm>> -> memref<128xi32, #tpu.memory_space<hbm>>
          %dma_start3A_19 = tpu.memref_slice %arg3[%mul3A_13] : memref<160000xi32, #tpu.memory_space<hbm>> -> memref<128xi32, #tpu.memory_space<hbm>>
          tpu.enqueue_dma source(%dma_start3A_19 : memref<128xi32, #tpu.memory_space<hbm>>) target(%arg5 : memref<128xi32, #tpu.memory_space<vmem>>) target_semaphore(%run_scoped3A : memref<!tpu.dma_semaphore, #tpu.memory_space<semaphore_mem>>)
          %dma_wait3A_20 = tpu.memref_slice %arg3[%mul3A_13] : memref<160000xi32, #tpu.memory_space<hbm>> -> memref<128xi32, #tpu.memory_space<hbm>>
          %dma_wait3A_21 = tpu.memref_slice %arg3[%mul3A_13] : memref<160000xi32, #tpu.memory_space<hbm>> -> memref<128xi32, #tpu.memory_space<hbm>>
          tpu.wait_dma2 semaphore(%run_scoped3A : memref<!tpu.dma_semaphore, #tpu.memory_space<semaphore_mem>>) src(%dma_wait3A_21 : memref<128xi32, #tpu.memory_space<hbm>>) dst(%arg5 : memref<128xi32, #tpu.memory_space<vmem>>)
          tpu.yield
        }) : () -> ()
        %dma_start3A = arith.constant 0 : i32
        %dma_start3A_14 = arith.constant 0 : i32
        %dma_start3A_15 = tpu.memref_slice %arg2[%dma_start3A, %dma_start3A_14] : memref<10000x256xf32, #tpu.memory_space<hbm>> -> memref<10000x256xf32, #tpu.memory_space<hbm>>
        tpu.enqueue_indirect_dma source(%dma_start3A_15 : memref<10000x256xf32, #tpu.memory_space<hbm>>) target(%arg6 : memref<128x256xf32, #tpu.memory_space<vmem>>) offsets(%arg5 : memref<128xi32, #tpu.memory_space<vmem>>) semaphore(%arg7 : memref<!tpu.dma_semaphore, #tpu.memory_space<semaphore_mem>>)
        %dma_wait3A = arith.constant 0 : i32
        %dma_wait3A_16 = arith.constant 0 : i32
        %dma_wait3A_17 = tpu.memref_slice %arg2[%dma_wait3A, %dma_wait3A_16] : memref<10000x256xf32, #tpu.memory_space<hbm>> -> memref<10000x256xf32, #tpu.memory_space<hbm>>
        tpu.wait_indirect_dma semaphore(%arg7 : memref<!tpu.dma_semaphore, #tpu.memory_space<semaphore_mem>>) src(%dma_wait3A_17 : memref<10000x256xf32, #tpu.memory_space<hbm>>) dst(%arg6 : memref<128x256xf32, #tpu.memory_space<vmem>>)
        "tpu.region"() ({
          %run_scoped3A = tpu.sem_alloc : memref<!tpu.dma_semaphore, #tpu.memory_space<semaphore_mem>>
          %dma_start3A_18 = arith.constant 0 : i32
          %dma_start3A_19 = tpu.memref_slice %arg4[%mul3A_13, %dma_start3A_18] : memref<160000x256xf32, #tpu.memory_space<hbm>> -> memref<128x256xf32, #tpu.memory_space<hbm>>
          %dma_start3A_20 = arith.constant 0 : i32
          %dma_start3A_21 = tpu.memref_slice %arg4[%mul3A_13, %dma_start3A_20] : memref<160000x256xf32, #tpu.memory_space<hbm>> -> memref<128x256xf32, #tpu.memory_space<hbm>>
          tpu.enqueue_dma source(%arg6 : memref<128x256xf32, #tpu.memory_space<vmem>>) target(%dma_start3A_21 : memref<128x256xf32, #tpu.memory_space<hbm>>) target_semaphore(%run_scoped3A : memref<!tpu.dma_semaphore, #tpu.memory_space<semaphore_mem>>)
          %dma_wait3A_22 = arith.constant 0 : i32
          %dma_wait3A_23 = tpu.memref_slice %arg4[%mul3A_13, %dma_wait3A_22] : memref<160000x256xf32, #tpu.memory_space<hbm>> -> memref<128x256xf32, #tpu.memory_space<hbm>>
          %dma_wait3A_24 = arith.constant 0 : i32
          %dma_wait3A_25 = tpu.memref_slice %arg4[%mul3A_13, %dma_wait3A_24] : memref<160000x256xf32, #tpu.memory_space<hbm>> -> memref<128x256xf32, #tpu.memory_space<hbm>>
          tpu.wait_dma2 semaphore(%run_scoped3A : memref<!tpu.dma_semaphore, #tpu.memory_space<semaphore_mem>>) src(%arg6 : memref<128x256xf32, #tpu.memory_space<vmem>>) dst(%dma_wait3A_25 : memref<128x256xf32, #tpu.memory_space<hbm>>)
          tpu.yield
        }) : () -> ()
      } else {
      }
    }
    %scan3A_5 = arith.constant 40 : i32
    return
  }
}

module attributes {stable_mosaic.version = 14 : i64} {
  func.func @_layer0_body(%arg0: i32, %arg1: memref<1000x256xf32, #tpu.memory_space<vmem>>, %arg2: memref<256x256xf32, #tpu.memory_space<vmem>>, %arg3: memref<1x256xf32, #tpu.memory_space<vmem>>, %arg4: memref<256x256xf32, #tpu.memory_space<vmem>>, %arg5: memref<1x256xf32, #tpu.memory_space<vmem>>, %arg6: memref<1000x1xf32, #tpu.memory_space<vmem>>, %arg7: memref<1000x1xf32, #tpu.memory_space<vmem>>, %arg8: memref<1000x256xf32, #tpu.memory_space<vmem>>, %arg9: memref<1000x256xf32, #tpu.memory_space<vmem>>) attributes {dimension_semantics = [#tpu.dimension_semantics<arbitrary>], iteration_bounds = array<i64: 10>, scalar_prefetch = 0 : i64, scratch_operands = 0 : i64, tpu.core_type = #tpu.core_type<tc>, window_params = [{transform_indices = @transform_0, window_bounds = array<i64: 1000, 256>}, {pipeline_mode = #tpu.pipeline_mode<synchronous>, transform_indices = @transform_1, window_bounds = array<i64: 256, 256>}, {pipeline_mode = #tpu.pipeline_mode<synchronous>, transform_indices = @transform_2, window_bounds = array<i64: 1, 256>}, {pipeline_mode = #tpu.pipeline_mode<synchronous>, transform_indices = @transform_3, window_bounds = array<i64: 256, 256>}, {pipeline_mode = #tpu.pipeline_mode<synchronous>, transform_indices = @transform_4, window_bounds = array<i64: 1, 256>}, {transform_indices = @transform_5, window_bounds = array<i64: 1000, 1>}, {transform_indices = @transform_6, window_bounds = array<i64: 1000, 1>}, {transform_indices = @transform_7, window_bounds = array<i64: 1000, 256>}, {transform_indices = @transform_8, window_bounds = array<i64: 1000, 256>}]} {
    %get3A = arith.constant 0 : index
    %get3A_0 = arith.constant 0 : index
    %get3A_1 = vector.load %arg1[%get3A, %get3A_0] : memref<1000x256xf32, #tpu.memory_space<vmem>>, vector<1000x256xf32>
    %get3A_2 = arith.constant 0 : index
    %get3A_3 = arith.constant 0 : index
    %get3A_4 = vector.load %arg2[%get3A_2, %get3A_3] : memref<256x256xf32, #tpu.memory_space<vmem>>, vector<256x256xf32>
    %dot_general3A = arith.constant dense<0.000000e+00> : vector<1000x256xf32>
    %dot_general3A_5 = tpu.matmul %get3A_1, %get3A_4, %dot_general3A {dimension_numbers = #tpu.dot_dimension_numbers<[1], [0], [0], [1], [0, 0, 1, 1], [], []>, transpose_lhs_hint = false} : vector<1000x256xf32>, vector<256x256xf32>, vector<1000x256xf32> -> vector<1000x256xf32>
    %get3A_6 = arith.constant 0 : index
    %get3A_7 = arith.constant 0 : index
    %get3A_8 = vector.load %arg3[%get3A_6, %get3A_7] : memref<1x256xf32, #tpu.memory_space<vmem>>, vector<1x256xf32>
    %add3A = vector.broadcast %get3A_8 : vector<1x256xf32> to vector<1000x256xf32>
    %add3A_9 = arith.addf %dot_general3A_5, %add3A : vector<1000x256xf32>
    %get3A_10 = arith.constant 0 : index
    %get3A_11 = arith.constant 0 : index
    %get3A_12 = vector.load %arg4[%get3A_10, %get3A_11] : memref<256x256xf32, #tpu.memory_space<vmem>>, vector<256x256xf32>
    %dot_general3A_13 = arith.constant dense<0.000000e+00> : vector<1000x256xf32>
    %dot_general3A_14 = tpu.matmul %get3A_1, %get3A_12, %dot_general3A_13 {dimension_numbers = #tpu.dot_dimension_numbers<[1], [0], [0], [1], [0, 0, 1, 1], [], []>, transpose_lhs_hint = false} : vector<1000x256xf32>, vector<256x256xf32>, vector<1000x256xf32> -> vector<1000x256xf32>
    %get3A_15 = arith.constant 0 : index
    %get3A_16 = arith.constant 0 : index
    %get3A_17 = vector.load %arg5[%get3A_15, %get3A_16] : memref<1x256xf32, #tpu.memory_space<vmem>>, vector<1x256xf32>
    %add3A_18 = vector.broadcast %get3A_17 : vector<1x256xf32> to vector<1000x256xf32>
    %add3A_19 = arith.addf %dot_general3A_14, %add3A_18 : vector<1000x256xf32>
    %sub3A = arith.subf %add3A_19, %add3A_9 : vector<1000x256xf32>
    %get3A_20 = arith.constant 0 : index
    %get3A_21 = arith.constant 0 : index
    %get3A_22 = vector.load %arg6[%get3A_20, %get3A_21] : memref<1000x1xf32, #tpu.memory_space<vmem>>, vector<1000x1xf32>
    %mul3A = vector.broadcast %get3A_22 : vector<1000x1xf32> to vector<1000x256xf32>
    %mul3A_23 = arith.mulf %mul3A, %sub3A : vector<1000x256xf32>
    %add3A_24 = arith.addf %add3A_9, %mul3A_23 : vector<1000x256xf32>
    %swap3A = arith.constant 0 : index
    %swap3A_25 = arith.constant 0 : index
    %swap3A_26 = vector.load %arg8[%swap3A, %swap3A_25] : memref<1000x256xf32, #tpu.memory_space<vmem>>, vector<1000x256xf32>
    tpu.vector_store %arg8[%swap3A, %swap3A_25], %add3A_24 {strides = array<i32>} : memref<1000x256xf32, #tpu.memory_space<vmem>>, vector<1000x256xf32>,
    %get3A_27 = arith.constant 0 : index
    %get3A_28 = arith.constant 0 : index
    %get3A_29 = vector.load %arg7[%get3A_27, %get3A_28] : memref<1000x1xf32, #tpu.memory_space<vmem>>, vector<1000x1xf32>
    %mul3A_30 = vector.broadcast %get3A_29 : vector<1000x1xf32> to vector<1000x256xf32>
    %mul3A_31 = arith.mulf %mul3A_30, %sub3A : vector<1000x256xf32>
    %add3A_32 = arith.addf %add3A_9, %mul3A_31 : vector<1000x256xf32>
    %swap3A_33 = arith.constant 0 : index
    %swap3A_34 = arith.constant 0 : index
    %swap3A_35 = vector.load %arg9[%swap3A_33, %swap3A_34] : memref<1000x256xf32, #tpu.memory_space<vmem>>, vector<1000x256xf32>
    tpu.vector_store %arg9[%swap3A_33, %swap3A_34], %add3A_32 {strides = array<i32>} : memref<1000x256xf32, #tpu.memory_space<vmem>>, vector<1000x256xf32>,
    return
  }
  func.func @transform_0(%arg0: i32) -> (i32, i32) {
    %c0_i32 = arith.constant 0 : i32
    %c0_i32_0 = arith.constant 0 : i32
    return %arg0, %c0_i32 : i32, i32
  }
  func.func @transform_1(%arg0: i32) -> (i32, i32) {
    %c0_i32 = arith.constant 0 : i32
    %c0_i32_0 = arith.constant 0 : i32
    %c0_i32_1 = arith.constant 0 : i32
    return %c0_i32, %c0_i32_0 : i32, i32
  }
  func.func @transform_2(%arg0: i32) -> (i32, i32) {
    %c0_i32 = arith.constant 0 : i32
    %c0_i32_0 = arith.constant 0 : i32
    %c0_i32_1 = arith.constant 0 : i32
    return %c0_i32, %c0_i32_0 : i32, i32
  }
  func.func @transform_3(%arg0: i32) -> (i32, i32) {
    %c0_i32 = arith.constant 0 : i32
    %c0_i32_0 = arith.constant 0 : i32
    %c0_i32_1 = arith.constant 0 : i32
    return %c0_i32, %c0_i32_0 : i32, i32
  }
  func.func @transform_4(%arg0: i32) -> (i32, i32) {
    %c0_i32 = arith.constant 0 : i32
    %c0_i32_0 = arith.constant 0 : i32
    %c0_i32_1 = arith.constant 0 : i32
    return %c0_i32, %c0_i32_0 : i32, i32
  }
  func.func @transform_5(%arg0: i32) -> (i32, i32) {
    %c0_i32 = arith.constant 0 : i32
    %c0_i32_0 = arith.constant 0 : i32
    return %arg0, %c0_i32 : i32, i32
  }
  func.func @transform_6(%arg0: i32) -> (i32, i32) {
    %c0_i32 = arith.constant 0 : i32
    %c0_i32_0 = arith.constant 0 : i32
    return %arg0, %c0_i32 : i32, i32
  }
  func.func @transform_7(%arg0: i32) -> (i32, i32) {
    %c0_i32 = arith.constant 0 : i32
    %c0_i32_0 = arith.constant 0 : i32
    return %arg0, %c0_i32 : i32, i32
  }
  func.func @transform_8(%arg0: i32) -> (i32, i32) {
    %c0_i32 = arith.constant 0 : i32
    %c0_i32_0 = arith.constant 0 : i32
    return %arg0, %c0_i32 : i32, i32
  }
}

module attributes {stable_mosaic.version = 14 : i64} {
  func.func @_segsum_body(%arg0: i32, %arg1: memref<1x1x4000xi32, #tpu.memory_space<smem>>, %arg2: memref<4000x256xf32, #tpu.memory_space<vmem>>, %arg3: memref<10000x256xf32, #tpu.memory_space<vmem>>, %arg4: memref<1x10000xf32, #tpu.memory_space<smem>>, %arg5: memref<10000x256xf32, #tpu.memory_space<vmem>>, %arg6: memref<1x10000xf32, #tpu.memory_space<smem>>) attributes {dimension_semantics = [#tpu.dimension_semantics<arbitrary>], iteration_bounds = array<i64: 40>, scalar_prefetch = 0 : i64, scratch_operands = 2 : i64, tpu.core_type = #tpu.core_type<tc>, window_params = [{transform_indices = @transform_0, window_bounds = array<i64: 1, 1, 4000>}, {transform_indices = @transform_1, window_bounds = array<i64: 4000, 256>}, {pipeline_mode = #tpu.pipeline_mode<synchronous>, transform_indices = @transform_2, window_bounds = array<i64: 10000, 256>}, {transform_indices = @transform_3, window_bounds = array<i64: 1, 10000>}]} {
    %eq3A = arith.constant 0 : i32
    %eq3A_0 = arith.cmpi eq, %arg0, %eq3A : i32
    %convert_element_type3A = arith.extui %eq3A_0 : i1 to i32
    %cond3A = arith.constant 0 : i32
    %cond3A_1 = arith.cmpi ne, %convert_element_type3A, %cond3A : i32
    scf.if %cond3A_1 {
      %broadcast_in_dim3A = arith.constant 0.000000e+00 : f32
      %broadcast_in_dim3A_11 = vector.broadcast %broadcast_in_dim3A : f32 to vector<10000x256xf32>
      %swap3A = arith.constant 0 : index
      %swap3A_12 = arith.constant 0 : index
      %swap3A_13 = vector.load %arg5[%swap3A, %swap3A_12] : memref<10000x256xf32, #tpu.memory_space<vmem>>, vector<10000x256xf32>
      tpu.vector_store %arg5[%swap3A, %swap3A_12], %broadcast_in_dim3A_11 {strides = array<i32>} : memref<10000x256xf32, #tpu.memory_space<vmem>>, vector<10000x256xf32>,
      %scan3A_14 = arith.constant 0 : i32
      %scan3A_15 = arith.constant 10000 : i32
      %scan3A_16 = arith.addi %scan3A_14, %scan3A_15 : i32
      %scan3A_17 = arith.constant 1 : i32
      scf.for %scan3A_19 = %scan3A_14 to %scan3A_16 step %scan3A_17  : i32 {
        %swap3A_20 = arith.constant 0.000000e+00 : f32
        %swap3A_21 = arith.constant 0 : index
        %swap3A_22 = arith.index_cast %scan3A_19 : i32 to index
        %swap3A_23 = memref.load %arg6[%swap3A_21, %swap3A_22] : memref<1x10000xf32, #tpu.memory_space<smem>>
        memref.store %swap3A_20, %arg6[%swap3A_21, %swap3A_22] : memref<1x10000xf32, #tpu.memory_space<smem>>
      }
      %scan3A_18 = arith.constant 10000 : i32
    } else {
    }
    %scan3A = arith.constant 0 : i32
    %scan3A_2 = arith.constant 4000 : i32
    %scan3A_3 = arith.addi %scan3A, %scan3A_2 : i32
    %scan3A_4 = arith.constant 1 : i32
    scf.for %scan3A_11 = %scan3A to %scan3A_3 step %scan3A_4  : i32 {
      %get3A = arith.constant 0 : index
      %get3A_12 = arith.constant 0 : index
      %get3A_13 = arith.index_cast %scan3A_11 : i32 to index
      %get3A_14 = memref.load %arg1[%get3A, %get3A_12, %get3A_13] : memref<1x1x4000xi32, #tpu.memory_space<smem>>
      %get3A_15 = arith.index_cast %get3A_14 : i32 to index
      %get3A_16 = arith.constant 0 : index
      %get3A_17 = vector.load %arg5[%get3A_15, %get3A_16] : memref<10000x256xf32, #tpu.memory_space<vmem>>, vector<1x256xf32>
      %get3A_18 = arith.index_cast %scan3A_11 : i32 to index
      %get3A_19 = arith.constant 0 : index
      %get3A_20 = vector.load %arg2[%get3A_18, %get3A_19] : memref<4000x256xf32, #tpu.memory_space<vmem>>, vector<1x256xf32>
      %add3A = arith.addf %get3A_17, %get3A_20 : vector<1x256xf32>
      %swap3A = arith.index_cast %get3A_14 : i32 to index
      %swap3A_21 = arith.constant 0 : index
      %swap3A_22 = vector.load %arg5[%swap3A, %swap3A_21] : memref<10000x256xf32, #tpu.memory_space<vmem>>, vector<1x256xf32>
      tpu.vector_store %arg5[%swap3A, %swap3A_21], %add3A {strides = array<i32>} : memref<10000x256xf32, #tpu.memory_space<vmem>>, vector<1x256xf32>,
      %get3A_23 = arith.constant 0 : index
      %get3A_24 = arith.index_cast %get3A_14 : i32 to index
      %get3A_25 = memref.load %arg6[%get3A_23, %get3A_24] : memref<1x10000xf32, #tpu.memory_space<smem>>
      %add3A_26 = arith.constant 1.000000e+00 : f32
      %add3A_27 = arith.addf %get3A_25, %add3A_26 : f32
      %swap3A_28 = arith.constant 0 : index
      %swap3A_29 = arith.index_cast %get3A_14 : i32 to index
      %swap3A_30 = memref.load %arg6[%swap3A_28, %swap3A_29] : memref<1x10000xf32, #tpu.memory_space<smem>>
      memref.store %add3A_27, %arg6[%swap3A_28, %swap3A_29] : memref<1x10000xf32, #tpu.memory_space<smem>>
    }
    %scan3A_5 = arith.constant 4000 : i32
    %eq3A_6 = arith.constant 39 : i32
    %eq3A_7 = arith.cmpi eq, %arg0, %eq3A_6 : i32
    %convert_element_type3A_8 = arith.extui %eq3A_7 : i1 to i32
    %cond3A_9 = arith.constant 0 : i32
    %cond3A_10 = arith.cmpi ne, %convert_element_type3A_8, %cond3A_9 : i32
    scf.if %cond3A_10 {
      %get3A = arith.constant 0 : index
      %get3A_11 = arith.constant 0 : index
      %get3A_12 = vector.load %arg5[%get3A, %get3A_11] : memref<10000x256xf32, #tpu.memory_space<vmem>>, vector<10000x256xf32>
      %swap3A = arith.constant 0 : index
      %swap3A_13 = arith.constant 0 : index
      %swap3A_14 = vector.load %arg3[%swap3A, %swap3A_13] : memref<10000x256xf32, #tpu.memory_space<vmem>>, vector<10000x256xf32>
      tpu.vector_store %arg3[%swap3A, %swap3A_13], %get3A_12 {strides = array<i32>} : memref<10000x256xf32, #tpu.memory_space<vmem>>, vector<10000x256xf32>,
      %scan3A_15 = arith.constant 0 : i32
      %scan3A_16 = arith.constant 10000 : i32
      %scan3A_17 = arith.addi %scan3A_15, %scan3A_16 : i32
      %scan3A_18 = arith.constant 1 : i32
      scf.for %scan3A_20 = %scan3A_15 to %scan3A_17 step %scan3A_18  : i32 {
        %get3A_21 = arith.constant 0 : index
        %get3A_22 = arith.index_cast %scan3A_20 : i32 to index
        %get3A_23 = memref.load %arg6[%get3A_21, %get3A_22] : memref<1x10000xf32, #tpu.memory_space<smem>>
        %swap3A_24 = arith.constant 0 : index
        %swap3A_25 = arith.index_cast %scan3A_20 : i32 to index
        %swap3A_26 = memref.load %arg4[%swap3A_24, %swap3A_25] : memref<1x10000xf32, #tpu.memory_space<smem>>
        memref.store %get3A_23, %arg4[%swap3A_24, %swap3A_25] : memref<1x10000xf32, #tpu.memory_space<smem>>
      }
      %scan3A_19 = arith.constant 10000 : i32
    } else {
    }
    return
  }
  func.func @transform_0(%arg0: i32) -> (i32, i32, i32) {
    %c0_i32 = arith.constant 0 : i32
    %c0_i32_0 = arith.constant 0 : i32
    %c0_i32_1 = arith.constant 0 : i32
    return %arg0, %c0_i32, %c0_i32_0 : i32, i32, i32
  }
  func.func @transform_1(%arg0: i32) -> (i32, i32) {
    %c0_i32 = arith.constant 0 : i32
    %c0_i32_0 = arith.constant 0 : i32
    return %arg0, %c0_i32 : i32, i32
  }
  func.func @transform_2(%arg0: i32) -> (i32, i32) {
    %c0_i32 = arith.constant 0 : i32
    %c0_i32_0 = arith.constant 0 : i32
    %c0_i32_1 = arith.constant 0 : i32
    return %c0_i32, %c0_i32_0 : i32, i32
  }
  func.func @transform_3(%arg0: i32) -> (i32, i32) {
    %c0_i32 = arith.constant 0 : i32
    %c0_i32_0 = arith.constant 0 : i32
    %c0_i32_1 = arith.constant 0 : i32
    return %c0_i32, %c0_i32_0 : i32, i32
  }
}

module attributes {stable_mosaic.version = 14 : i64} {
  func.func @_segsum_body(%arg0: i32, %arg1: memref<1x1x4000xi32, #tpu.memory_space<smem>>, %arg2: memref<4000x256xf32, #tpu.memory_space<vmem>>, %arg3: memref<10000x256xf32, #tpu.memory_space<vmem>>, %arg4: memref<1x10000xf32, #tpu.memory_space<smem>>, %arg5: memref<10000x256xf32, #tpu.memory_space<vmem>>, %arg6: memref<1x10000xf32, #tpu.memory_space<smem>>) attributes {dimension_semantics = [#tpu.dimension_semantics<arbitrary>], iteration_bounds = array<i64: 40>, scalar_prefetch = 0 : i64, scratch_operands = 2 : i64, tpu.core_type = #tpu.core_type<tc>, window_params = [{transform_indices = @transform_0, window_bounds = array<i64: 1, 1, 4000>}, {transform_indices = @transform_1, window_bounds = array<i64: 4000, 256>}, {pipeline_mode = #tpu.pipeline_mode<synchronous>, transform_indices = @transform_2, window_bounds = array<i64: 10000, 256>}, {transform_indices = @transform_3, window_bounds = array<i64: 1, 10000>}]} {
    %eq3A = arith.constant 0 : i32
    %eq3A_0 = arith.cmpi eq, %arg0, %eq3A : i32
    %convert_element_type3A = arith.extui %eq3A_0 : i1 to i32
    %cond3A = arith.constant 0 : i32
    %cond3A_1 = arith.cmpi ne, %convert_element_type3A, %cond3A : i32
    scf.if %cond3A_1 {
      %broadcast_in_dim3A = arith.constant 0.000000e+00 : f32
      %broadcast_in_dim3A_11 = vector.broadcast %broadcast_in_dim3A : f32 to vector<10000x256xf32>
      %swap3A = arith.constant 0 : index
      %swap3A_12 = arith.constant 0 : index
      %swap3A_13 = vector.load %arg5[%swap3A, %swap3A_12] : memref<10000x256xf32, #tpu.memory_space<vmem>>, vector<10000x256xf32>
      tpu.vector_store %arg5[%swap3A, %swap3A_12], %broadcast_in_dim3A_11 {strides = array<i32>} : memref<10000x256xf32, #tpu.memory_space<vmem>>, vector<10000x256xf32>,
      %scan3A_14 = arith.constant 0 : i32
      %scan3A_15 = arith.constant 10000 : i32
      %scan3A_16 = arith.addi %scan3A_14, %scan3A_15 : i32
      %scan3A_17 = arith.constant 1 : i32
      scf.for %scan3A_19 = %scan3A_14 to %scan3A_16 step %scan3A_17  : i32 {
        %swap3A_20 = arith.constant 0.000000e+00 : f32
        %swap3A_21 = arith.constant 0 : index
        %swap3A_22 = arith.index_cast %scan3A_19 : i32 to index
        %swap3A_23 = memref.load %arg6[%swap3A_21, %swap3A_22] : memref<1x10000xf32, #tpu.memory_space<smem>>
        memref.store %swap3A_20, %arg6[%swap3A_21, %swap3A_22] : memref<1x10000xf32, #tpu.memory_space<smem>>
      }
      %scan3A_18 = arith.constant 10000 : i32
    } else {
    }
    %scan3A = arith.constant 0 : i32
    %scan3A_2 = arith.constant 4000 : i32
    %scan3A_3 = arith.addi %scan3A, %scan3A_2 : i32
    %scan3A_4 = arith.constant 1 : i32
    scf.for %scan3A_11 = %scan3A to %scan3A_3 step %scan3A_4  : i32 {
      %get3A = arith.constant 0 : index
      %get3A_12 = arith.constant 0 : index
      %get3A_13 = arith.index_cast %scan3A_11 : i32 to index
      %get3A_14 = memref.load %arg1[%get3A, %get3A_12, %get3A_13] : memref<1x1x4000xi32, #tpu.memory_space<smem>>
      %get3A_15 = arith.index_cast %get3A_14 : i32 to index
      %get3A_16 = arith.constant 0 : index
      %get3A_17 = vector.load %arg5[%get3A_15, %get3A_16] : memref<10000x256xf32, #tpu.memory_space<vmem>>, vector<1x256xf32>
      %get3A_18 = arith.index_cast %scan3A_11 : i32 to index
      %get3A_19 = arith.constant 0 : index
      %get3A_20 = vector.load %arg2[%get3A_18, %get3A_19] : memref<4000x256xf32, #tpu.memory_space<vmem>>, vector<1x256xf32>
      %add3A = arith.addf %get3A_17, %get3A_20 : vector<1x256xf32>
      %swap3A = arith.index_cast %get3A_14 : i32 to index
      %swap3A_21 = arith.constant 0 : index
      %swap3A_22 = vector.load %arg5[%swap3A, %swap3A_21] : memref<10000x256xf32, #tpu.memory_space<vmem>>, vector<1x256xf32>
      tpu.vector_store %arg5[%swap3A, %swap3A_21], %add3A {strides = array<i32>} : memref<10000x256xf32, #tpu.memory_space<vmem>>, vector<1x256xf32>,
      %get3A_23 = arith.constant 0 : index
      %get3A_24 = arith.index_cast %get3A_14 : i32 to index
      %get3A_25 = memref.load %arg6[%get3A_23, %get3A_24] : memref<1x10000xf32, #tpu.memory_space<smem>>
      %add3A_26 = arith.constant 1.000000e+00 : f32
      %add3A_27 = arith.addf %get3A_25, %add3A_26 : f32
      %swap3A_28 = arith.constant 0 : index
      %swap3A_29 = arith.index_cast %get3A_14 : i32 to index
      %swap3A_30 = memref.load %arg6[%swap3A_28, %swap3A_29] : memref<1x10000xf32, #tpu.memory_space<smem>>
      memref.store %add3A_27, %arg6[%swap3A_28, %swap3A_29] : memref<1x10000xf32, #tpu.memory_space<smem>>
    }
    %scan3A_5 = arith.constant 4000 : i32
    %eq3A_6 = arith.constant 39 : i32
    %eq3A_7 = arith.cmpi eq, %arg0, %eq3A_6 : i32
    %convert_element_type3A_8 = arith.extui %eq3A_7 : i1 to i32
    %cond3A_9 = arith.constant 0 : i32
    %cond3A_10 = arith.cmpi ne, %convert_element_type3A_8, %cond3A_9 : i32
    scf.if %cond3A_10 {
      %get3A = arith.constant 0 : index
      %get3A_11 = arith.constant 0 : index
      %get3A_12 = vector.load %arg5[%get3A, %get3A_11] : memref<10000x256xf32, #tpu.memory_space<vmem>>, vector<10000x256xf32>
      %swap3A = arith.constant 0 : index
      %swap3A_13 = arith.constant 0 : index
      %swap3A_14 = vector.load %arg3[%swap3A, %swap3A_13] : memref<10000x256xf32, #tpu.memory_space<vmem>>, vector<10000x256xf32>
      tpu.vector_store %arg3[%swap3A, %swap3A_13], %get3A_12 {strides = array<i32>} : memref<10000x256xf32, #tpu.memory_space<vmem>>, vector<10000x256xf32>,
      %scan3A_15 = arith.constant 0 : i32
      %scan3A_16 = arith.constant 10000 : i32
      %scan3A_17 = arith.addi %scan3A_15, %scan3A_16 : i32
      %scan3A_18 = arith.constant 1 : i32
      scf.for %scan3A_20 = %scan3A_15 to %scan3A_17 step %scan3A_18  : i32 {
        %get3A_21 = arith.constant 0 : index
        %get3A_22 = arith.index_cast %scan3A_20 : i32 to index
        %get3A_23 = memref.load %arg6[%get3A_21, %get3A_22] : memref<1x10000xf32, #tpu.memory_space<smem>>
        %swap3A_24 = arith.constant 0 : index
        %swap3A_25 = arith.index_cast %scan3A_20 : i32 to index
        %swap3A_26 = memref.load %arg4[%swap3A_24, %swap3A_25] : memref<1x10000xf32, #tpu.memory_space<smem>>
        memref.store %get3A_23, %arg4[%swap3A_24, %swap3A_25] : memref<1x10000xf32, #tpu.memory_space<smem>>
      }
      %scan3A_19 = arith.constant 10000 : i32
    } else {
    }
    return
  }
  func.func @transform_0(%arg0: i32) -> (i32, i32, i32) {
    %c0_i32 = arith.constant 0 : i32
    %c0_i32_0 = arith.constant 0 : i32
    %c0_i32_1 = arith.constant 0 : i32
    return %arg0, %c0_i32, %c0_i32_0 : i32, i32, i32
  }
  func.func @transform_1(%arg0: i32) -> (i32, i32) {
    %c0_i32 = arith.constant 0 : i32
    %c0_i32_0 = arith.constant 0 : i32
    return %arg0, %c0_i32 : i32, i32
  }
  func.func @transform_2(%arg0: i32) -> (i32, i32) {
    %c0_i32 = arith.constant 0 : i32
    %c0_i32_0 = arith.constant 0 : i32
    %c0_i32_1 = arith.constant 0 : i32
    return %c0_i32, %c0_i32_0 : i32, i32
  }
  func.func @transform_3(%arg0: i32) -> (i32, i32) {
    %c0_i32 = arith.constant 0 : i32
    %c0_i32_0 = arith.constant 0 : i32
    %c0_i32_1 = arith.constant 0 : i32
    return %c0_i32, %c0_i32_0 : i32, i32
  }
}

module attributes {stable_mosaic.version = 14 : i64} {
  func.func @_conv_body(%arg0: i32, %arg1: memref<1000x256xf32, #tpu.memory_space<vmem>>, %arg2: memref<1000x1xf32, #tpu.memory_space<vmem>>, %arg3: memref<256x256xf32, #tpu.memory_space<vmem>>, %arg4: memref<1x256xf32, #tpu.memory_space<vmem>>, %arg5: memref<1000x256xf32, #tpu.memory_space<vmem>>) attributes {dimension_semantics = [#tpu.dimension_semantics<arbitrary>], iteration_bounds = array<i64: 10>, scalar_prefetch = 0 : i64, scratch_operands = 0 : i64, tpu.core_type = #tpu.core_type<tc>, window_params = [{transform_indices = @transform_0, window_bounds = array<i64: 1000, 256>}, {transform_indices = @transform_1, window_bounds = array<i64: 1000, 1>}, {pipeline_mode = #tpu.pipeline_mode<synchronous>, transform_indices = @transform_2, window_bounds = array<i64: 256, 256>}, {pipeline_mode = #tpu.pipeline_mode<synchronous>, transform_indices = @transform_3, window_bounds = array<i64: 1, 256>}, {transform_indices = @transform_4, window_bounds = array<i64: 1000, 256>}]} {
    %get3A = arith.constant 0 : index
    %get3A_0 = arith.constant 0 : index
    %get3A_1 = vector.load %arg1[%get3A, %get3A_0] : memref<1000x256xf32, #tpu.memory_space<vmem>>, vector<1000x256xf32>
    %get3A_2 = arith.constant 0 : index
    %get3A_3 = arith.constant 0 : index
    %get3A_4 = vector.load %arg2[%get3A_2, %get3A_3] : memref<1000x1xf32, #tpu.memory_space<vmem>>, vector<1000x1xf32>
    %max3A = arith.constant 1.000000e+00 : f32
    %max3A_5 = vector.broadcast %max3A : f32 to vector<1000x1xf32>
    %max3A_6 = arith.maximumf %get3A_4, %max3A_5 : vector<1000x1xf32>
    %div3A = vector.broadcast %max3A_6 : vector<1000x1xf32> to vector<1000x256xf32>
    %div3A_7 = arith.divf %get3A_1, %div3A : vector<1000x256xf32>
    %get3A_8 = arith.constant 0 : index
    %get3A_9 = arith.constant 0 : index
    %get3A_10 = vector.load %arg3[%get3A_8, %get3A_9] : memref<256x256xf32, #tpu.memory_space<vmem>>, vector<256x256xf32>
    %dot_general3A = arith.constant dense<0.000000e+00> : vector<1000x256xf32>
    %dot_general3A_11 = tpu.matmul %div3A_7, %get3A_10, %dot_general3A {dimension_numbers = #tpu.dot_dimension_numbers<[1], [0], [0], [1], [0, 0, 1, 1], [], []>, transpose_lhs_hint = false} : vector<1000x256xf32>, vector<256x256xf32>, vector<1000x256xf32> -> vector<1000x256xf32>
    %get3A_12 = arith.constant 0 : index
    %get3A_13 = arith.constant 0 : index
    %get3A_14 = vector.load %arg4[%get3A_12, %get3A_13] : memref<1x256xf32, #tpu.memory_space<vmem>>, vector<1x256xf32>
    %add3A = vector.broadcast %get3A_14 : vector<1x256xf32> to vector<1000x256xf32>
    %add3A_15 = arith.addf %dot_general3A_11, %add3A : vector<1000x256xf32>
    %max3A_16 = arith.constant 0.000000e+00 : f32
    %max3A_17 = vector.broadcast %max3A_16 : f32 to vector<1000x256xf32>
    %max3A_18 = arith.maximumf %add3A_15, %max3A_17 : vector<1000x256xf32>
    %swap3A = arith.constant 0 : index
    %swap3A_19 = arith.constant 0 : index
    %swap3A_20 = vector.load %arg5[%swap3A, %swap3A_19] : memref<1000x256xf32, #tpu.memory_space<vmem>>, vector<1000x256xf32>
    tpu.vector_store %arg5[%swap3A, %swap3A_19], %max3A_18 {strides = array<i32>} : memref<1000x256xf32, #tpu.memory_space<vmem>>, vector<1000x256xf32>,
    return
  }
  func.func @transform_0(%arg0: i32) -> (i32, i32) {
    %c0_i32 = arith.constant 0 : i32
    %c0_i32_0 = arith.constant 0 : i32
    return %arg0, %c0_i32 : i32, i32
  }
  func.func @transform_1(%arg0: i32) -> (i32, i32) {
    %c0_i32 = arith.constant 0 : i32
    %c0_i32_0 = arith.constant 0 : i32
    return %arg0, %c0_i32 : i32, i32
  }
  func.func @transform_2(%arg0: i32) -> (i32, i32) {
    %c0_i32 = arith.constant 0 : i32
    %c0_i32_0 = arith.constant 0 : i32
    %c0_i32_1 = arith.constant 0 : i32
    return %c0_i32, %c0_i32_0 : i32, i32
  }
  func.func @transform_3(%arg0: i32) -> (i32, i32) {
    %c0_i32 = arith.constant 0 : i32
    %c0_i32_0 = arith.constant 0 : i32
    %c0_i32_1 = arith.constant 0 : i32
    return %c0_i32, %c0_i32_0 : i32, i32
  }
  func.func @transform_4(%arg0: i32) -> (i32, i32) {
    %c0_i32 = arith.constant 0 : i32
    %c0_i32_0 = arith.constant 0 : i32
    return %arg0, %c0_i32 : i32, i32
  }
}

module attributes {stable_mosaic.version = 14 : i64} {
  func.func @_final_body(%arg0: i32, %arg1: memref<1024x256xf32, #tpu.memory_space<vmem>>, %arg2: memref<1024x1xf32, #tpu.memory_space<vmem>>, %arg3: memref<256x256xf32, #tpu.memory_space<vmem>>, %arg4: memref<1x256xf32, #tpu.memory_space<vmem>>, %arg5: memref<256x256xf32, #tpu.memory_space<vmem>>, %arg6: memref<1x256xf32, #tpu.memory_space<vmem>>, %arg7: memref<1024x256xf32, #tpu.memory_space<vmem>>) attributes {dimension_semantics = [#tpu.dimension_semantics<arbitrary>], iteration_bounds = array<i64: 16>, scalar_prefetch = 0 : i64, scratch_operands = 0 : i64, tpu.core_type = #tpu.core_type<tc>, window_params = [{transform_indices = @transform_0, window_bounds = array<i64: 1024, 256>}, {transform_indices = @transform_1, window_bounds = array<i64: 1024, 1>}, {pipeline_mode = #tpu.pipeline_mode<synchronous>, transform_indices = @transform_2, window_bounds = array<i64: 256, 256>}, {pipeline_mode = #tpu.pipeline_mode<synchronous>, transform_indices = @transform_3, window_bounds = array<i64: 1, 256>}, {pipeline_mode = #tpu.pipeline_mode<synchronous>, transform_indices = @transform_4, window_bounds = array<i64: 256, 256>}, {pipeline_mode = #tpu.pipeline_mode<synchronous>, transform_indices = @transform_5, window_bounds = array<i64: 1, 256>}, {transform_indices = @transform_6, window_bounds = array<i64: 1024, 256>}]} {
    %get3A = arith.constant 0 : index
    %get3A_0 = arith.constant 0 : index
    %get3A_1 = vector.load %arg1[%get3A, %get3A_0] : memref<1024x256xf32, #tpu.memory_space<vmem>>, vector<1024x256xf32>
    %get3A_2 = arith.constant 0 : index
    %get3A_3 = arith.constant 0 : index
    %get3A_4 = vector.load %arg3[%get3A_2, %get3A_3] : memref<256x256xf32, #tpu.memory_space<vmem>>, vector<256x256xf32>
    %dot_general3A = arith.constant dense<0.000000e+00> : vector<1024x256xf32>
    %dot_general3A_5 = tpu.matmul %get3A_1, %get3A_4, %dot_general3A {dimension_numbers = #tpu.dot_dimension_numbers<[1], [0], [0], [1], [0, 0, 1, 1], [], []>, transpose_lhs_hint = false} : vector<1024x256xf32>, vector<256x256xf32>, vector<1024x256xf32> -> vector<1024x256xf32>
    %get3A_6 = arith.constant 0 : index
    %get3A_7 = arith.constant 0 : index
    %get3A_8 = vector.load %arg4[%get3A_6, %get3A_7] : memref<1x256xf32, #tpu.memory_space<vmem>>, vector<1x256xf32>
    %add3A = vector.broadcast %get3A_8 : vector<1x256xf32> to vector<1024x256xf32>
    %add3A_9 = arith.addf %dot_general3A_5, %add3A : vector<1024x256xf32>
    %get3A_10 = arith.constant 0 : index
    %get3A_11 = arith.constant 0 : index
    %get3A_12 = vector.load %arg5[%get3A_10, %get3A_11] : memref<256x256xf32, #tpu.memory_space<vmem>>, vector<256x256xf32>
    %dot_general3A_13 = arith.constant dense<0.000000e+00> : vector<1024x256xf32>
    %dot_general3A_14 = tpu.matmul %get3A_1, %get3A_12, %dot_general3A_13 {dimension_numbers = #tpu.dot_dimension_numbers<[1], [0], [0], [1], [0, 0, 1, 1], [], []>, transpose_lhs_hint = false} : vector<1024x256xf32>, vector<256x256xf32>, vector<1024x256xf32> -> vector<1024x256xf32>
    %get3A_15 = arith.constant 0 : index
    %get3A_16 = arith.constant 0 : index
    %get3A_17 = vector.load %arg6[%get3A_15, %get3A_16] : memref<1x256xf32, #tpu.memory_space<vmem>>, vector<1x256xf32>
    %add3A_18 = vector.broadcast %get3A_17 : vector<1x256xf32> to vector<1024x256xf32>
    %add3A_19 = arith.addf %dot_general3A_14, %add3A_18 : vector<1024x256xf32>
    %get3A_20 = arith.constant 0 : index
    %get3A_21 = arith.constant 0 : index
    %get3A_22 = vector.load %arg2[%get3A_20, %get3A_21] : memref<1024x1xf32, #tpu.memory_space<vmem>>, vector<1024x1xf32>
    %sub3A = arith.subf %add3A_19, %add3A_9 : vector<1024x256xf32>
    %mul3A = vector.broadcast %get3A_22 : vector<1024x1xf32> to vector<1024x256xf32>
    %mul3A_23 = arith.mulf %mul3A, %sub3A : vector<1024x256xf32>
    %add3A_24 = arith.addf %add3A_9, %mul3A_23 : vector<1024x256xf32>
    %swap3A = arith.constant 0 : index
    %swap3A_25 = arith.constant 0 : index
    %swap3A_26 = vector.load %arg7[%swap3A, %swap3A_25] : memref<1024x256xf32, #tpu.memory_space<vmem>>, vector<1024x256xf32>
    tpu.vector_store %arg7[%swap3A, %swap3A_25], %add3A_24 {strides = array<i32>} : memref<1024x256xf32, #tpu.memory_space<vmem>>, vector<1024x256xf32>,
    return
  }
  func.func @transform_0(%arg0: i32) -> (i32, i32) {
    %c0_i32 = arith.constant 0 : i32
    %c0_i32_0 = arith.constant 0 : i32
    return %arg0, %c0_i32 : i32, i32
  }
  func.func @transform_1(%arg0: i32) -> (i32, i32) {
    %c0_i32 = arith.constant 0 : i32
    %c0_i32_0 = arith.constant 0 : i32
    return %arg0, %c0_i32 : i32, i32
  }
  func.func @transform_2(%arg0: i32) -> (i32, i32) {
    %c0_i32 = arith.constant 0 : i32
    %c0_i32_0 = arith.constant 0 : i32
    %c0_i32_1 = arith.constant 0 : i32
    return %c0_i32, %c0_i32_0 : i32, i32
  }
  func.func @transform_3(%arg0: i32) -> (i32, i32) {
    %c0_i32 = arith.constant 0 : i32
    %c0_i32_0 = arith.constant 0 : i32
    %c0_i32_1 = arith.constant 0 : i32
    return %c0_i32, %c0_i32_0 : i32, i32
  }
  func.func @transform_4(%arg0: i32) -> (i32, i32) {
    %c0_i32 = arith.constant 0 : i32
    %c0_i32_0 = arith.constant 0 : i32
    %c0_i32_1 = arith.constant 0 : i32
    return %c0_i32, %c0_i32_0 : i32, i32
  }
  func.func @transform_5(%arg0: i32) -> (i32, i32) {
    %c0_i32 = arith.constant 0 : i32
    %c0_i32_0 = arith.constant 0 : i32
    %c0_i32_1 = arith.constant 0 : i32
    return %c0_i32, %c0_i32_0 : i32, i32
  }
  func.func @transform_6(%arg0: i32) -> (i32, i32) {
    %c0_i32 = arith.constant 0 : i32
    %c0_i32_0 = arith.constant 0 : i32
    return %arg0, %c0_i32 : i32, i32
  }
}

</mosaic_0001>

<sc_bundles>
// kernel: kernel.12.cloned.1.call-start
scs
__scs_entry_jumppad:
0x0: {  	(pc) =	sbr.rel $0x88, $3  }
0x1: {  	(tag) =	ssettag $0x0;
	lr =	simm.s32 $0x1  }
0x2: {  	[smem:$0x3F98] =	sst lr;
	_ =	strace $0xD0000000  }
0x3: {  	_ = 	snop  }
0x4: {  	_ = 	snop  }
0x5: {  	_ = 	snop  }
0x6: {  	_ = 	snop  }
0x7: {  	_ = 	snop  }
__scs_overlays_trampoline_lowered:
0x8: {  	[smem:$0x3FA7] =	sst s0  }
0x9: {  	[smem:$0x3FA8] =	sst s1  }
0xa: {  	[smem:$0x3FA9] =	sst s2  }
0xb: {  	[smem:$0x3FAA] =	sst s3  }
0xc: {  	[smem:$0x3FAB] =	sst s4  }
0xd: {  	[smem:$0x3FAC] =	sst s5  }
0xe: {  	[smem:$0x3FAD] =	sst s6  }
0xf: {  	[smem:$0x3FAE] =	sst s7  }
0x10: {  	[smem:$0x3FAF] =	sst s8  }
0x11: {  	[smem:$0x3FB0] =	sst s9;
	s0 =	simm.s32 @!p0 $0x0  }
0x12: {  	s1 =	sld [smem:$0x3F96];
	s0 =	simm.s32 @p0 $0x1  }
0x13: {  	[smem:$0x3FB1] =	sst s0;
	s0 =	simm.s32 @!p1 $0x0  }
0x14: {  	s2 =	sld [smem:$0x3F95];
	s0 =	simm.s32 @p1 $0x1  }
0x15: {  	[smem:$0x3FB2] =	sst s0;
	s0 =	simm.s32 @!p2 $0x0  }
0x16: {  	s3 =	sld [smem:$0x3FDB];
	s0 =	simm.s32 @p2 $0x1  }
0x17: {  	s4 =	simm.s32 $0x1BF5;
	[smem:$0x3FB4] =	sst s0  }
0x18: {  	s0 =	sld [smem:$0x3F97];
	_ =	swait.ge [sflag:s4], $0x0  }
0x19: {  	s7 =	sld [smem:$0x3F98]  }
0x1a: {  	s8 =	sadd.s32 $0xFFFFE003, lr  }
0x1b: {  	s9 =	sadd.s32 $0xFFFFFEF7, lr;
	s5 =	simm.s32 $0xFFFFFFFF;
	p2 =	slt.u32 s8, $0xFFFFF086  }
0x1c: {  	p1 =	slt.u32 s9, $0xF7A;
	s5 =	simm.s32 @!p2 $0x0  }
0x1d: {  	s5 =	simm.s32 @p1 $0x1;
	p0 =	seq.s32 s7, s2  }
0x1e: {  	s7 =	smul.u32 @!p0 $0xF7A, s2;
	p2 =	seq.s32 @!p0 s5, $0x0  }
0x1f: {  	s9 =	smul.u32 $0xF7A, s1;
	s8 =	simm.s32 @!p0 $0x1BF5;
	p2 =	por !p2, p0  }
0x20: {  	[sflag:s8] =	ssyncset.s32 @!p0 $0xFFFFF086;
	s6 =	sadd.s32 @!p0 s3, s7;
	s7 =	simm.s32 @!p0 $0x108  }
0x21: {  	s3 =	sadd.s32 s3, s9;
	s6 =	sadd.s32 @!p0 $0x88, s6;
	s7 =	simm.s32 @p2 $0x1082  }
0x22: {  	[simem:s7], [sflag:s8] =	dma.local @!p0 [hbm:s6], $0xF7A  }
0x23: {  	s9 =	sor.u32 $0xD0000000, s2;
	s6 =	simm.s32 $0x108;
	_ =	swait.ge @!p0 [sflag:s8], $0x0  }
0x24: {  	s3 =	sadd.s32 $0x88, s3;
	s6 =	simm.s32 @!p1 $0x1082;
	[sflag:s4] =	ssyncset.s32 $0xFFFFF086  }
0x25: {  	[simem:s6], [sflag:s4] =	dma.local [hbm:s3], $0xF7A  }
0x26: {  	[smem:$0x3F98] =	sst s1;
	(tag) =	ssettag s2;
	_ =	strace s9  }
0x27: {  	s1 =	sld [smem:$0x3FA8]  }
0x28: {  	s2 =	sld [smem:$0x3FA9]  }
0x29: {  	s4 =	sld [smem:$0x3FAB]  }
0x2a: {  	p0 =	seq.s32 s5, $0x0;
	s5 =	sld [smem:$0x3FAC]  }
0x2b: {  	s6 =	sld [smem:$0x3FAD]  }
0x2c: {  	s7 =	sld [smem:$0x3FAE]  }
0x2d: {  	s3 =	simm.s32 $0x108;
	s8 =	sld [smem:$0x3FAF]  }
0x2e: {  	s3 =	simm.s32 @!p0 $0x1082;
	s9 =	sld [smem:$0x3FB0]  }
0x2f: {  	lr =	sadd.s32 s0, s3;
	s0 =	sld [smem:$0x3FA7]  }
0x30: {  	s3 =	sld [smem:$0x3FAA]  }
0x31: {  	[smem:$0x3FB3] =	sst s10  }
0x32: {  	s10 =	sld [smem:$0x3FB1];
	_ =	sdelay $0x3  }
0x33: {  	p0 =	seq.s32 s10, $0x1;
	s10 =	sld [smem:$0x3FB3];
	_ =	sdelay $0x3  }
0x34: {  	[smem:$0x3FB3] =	sst s10  }
0x35: {  	s10 =	sld [smem:$0x3FB2];
	_ =	sdelay $0x3  }
0x36: {  	p1 =	seq.s32 s10, $0x1;
	s10 =	sld [smem:$0x3FB3];
	_ =	sdelay $0x3  }
0x37: {  	[smem:$0x3FB3] =	sst s10  }
0x38: {  	s10 =	sld [smem:$0x3FB4]  }
0x39: {  	_ = 	snop;
	(pc) =	sbr.ind lr, $3  }
0x3a: {  	_ = 	snop  }
0x3b: {  	_ = 	snop  }
0x3c: {  	p2 =	seq.s32 s10, $0x1;
	s10 =	sld [smem:$0x3FB3]  }
0x3d: {  	_ =	shalt  }
0x3e: {  	_ =	shalt  }
0x3f: {  	_ =	shalt  }
0x40: {  	_ =	shalt  }
0x41: {  	_ =	shalt  }
0x42: {  	_ =	shalt  }
0x43: {  	_ =	shalt  }
0x44: {  	_ =	shalt  }
0x45: {  	_ =	shalt  }
0x46: {  	_ =	shalt  }
0x47: {  	_ =	shalt  }
0x48: {  	_ =	shalt  }
0x49: {  	_ =	shalt  }
0x4a: {  	_ =	shalt  }
0x4b: {  	_ =	shalt  }
0x4c: {  	_ =	shalt  }
0x4d: {  	_ =	shalt  }
0x4e: {  	_ =	shalt  }
0x4f: {  	_ =	shalt  }
0x50: {  	_ =	shalt  }
0x51: {  	_ =	shalt  }
0x52: {  	_ =	shalt  }
0x53: {  	_ =	shalt  }
0x54: {  	_ =	shalt  }
0x55: {  	_ =	shalt  }
0x56: {  	_ =	shalt  }
0x57: {  	_ =	shalt  }
0x58: {  	_ =	shalt  }
0x59: {  	_ =	shalt  }
0x5a: {  	_ =	shalt  }
0x5b: {  	_ =	shalt  }
0x5c: {  	_ =	shalt  }
0x5d: {  	_ =	shalt  }
0x5e: {  	_ =	shalt  }
0x5f: {  	_ =	shalt  }
0x60: {  	_ =	shalt  }
0x61: {  	_ =	shalt  }
0x62: {  	_ =	shalt  }
0x63: {  	_ =	shalt  }
0x64: {  	_ =	shalt  }
0x65: {  	_ =	shalt  }
0x66: {  	_ =	shalt  }
0x67: {  	_ =	shalt  }
0x68: {  	_ =	shalt  }
0x69: {  	_ =	shalt  }
0x6a: {  	_ =	shalt  }
0x6b: {  	_ =	shalt  }
0x6c: {  	_ =	shalt  }
0x6d: {  	_ =	shalt  }
0x6e: {  	_ =	shalt  }
0x6f: {  	_ =	shalt  }
0x70: {  	_ =	shalt  }
0x71: {  	_ =	shalt  }
0x72: {  	_ =	shalt  }
0x73: {  	_ =	shalt  }
0x74: {  	_ =	shalt  }
0x75: {  	_ =	shalt  }
0x76: {  	_ =	shalt  }
0x77: {  	_ =	shalt  }
0x78: {  	_ =	shalt  }
0x79: {  	_ =	shalt  }
0x7a: {  	_ =	shalt  }
0x7b: {  	_ =	shalt  }
0x7c: {  	_ =	shalt  }
0x7d: {  	_ =	shalt  }
0x7e: {  	_ =	shalt  }
0x7f: {  	_ =	shalt  }
0x80: {  	_ =	shalt  }
0x81: {  	_ =	shalt  }
0x82: {  	_ =	shalt  }
0x83: {  	_ =	shalt  }
0x84: {  	_ =	shalt  }
0x85: {  	_ =	shalt  }
0x86: {  	_ =	shalt  }
0x87: {  	_ =	shalt  }
.Lfunc_end0:
.L_simem_size_0:
called_computation_lowered:
.L_overlay_start_0:
0x88: {  	s2 =	sld [smem:$0x3FD9]  }
0x89: {  	s3 =	sld [smem:$0x3FFE];
	_ =	sdelay $0x1  }
0x8a: {  	s1 =	srdreg.scid  }
0x8b: {  	s0 =	sand.u32 $0x1, s1  }
0x8c: {  	s17 =	sshll.u32 s0, $0xA;
	s2 =	sadd.s32 s3, s2  }
0x8d: {  	s2 =	sadd.s32 s2, s17  }
0x8e: {  	[smem:$0x3FBF] =	sst s2  }
0x8f: {  	_ = 	snop  }
0x90: {  	s2 =	sld [smem:$0x3FD0];
	(tm) =	ssettm $0x1  }
0x91: {  	s18 =	sld [smem:$0x3FFB];
	_ =	sdelay $0x3  }
0x92: {  	_ =	strace s18  }
0x93: {  	s3 =	sld [smem:$0x3FFC];
	_ =	sdelay $0x3  }
0x94: {  	_ =	strace s3  }
0x95: {  	s3 =	sld [smem:$0x3FFD];
	_ =	sdelay $0x3  }
0x96: {  	_ =	strace s3  }
0x97: {  	_ =	strace $0x8FFFFFFF  }
0x98: {  	s19 =	sld [smem:$0x3FDB];
	_ =	sdelay $0x1  }
0x99: {  	s4 =	simm.s32 $_scs_section_size  }
0x9a: {  	s5 =	simm.s32 $_size__tile_overlayer_lowered;
	s6 =	simm.s32 $_tile_overlayer_lowered  }
0x9b: {  	s22 =	simm.s32 $0x1BFF;
	s21 =	sshll.u32 s6, $0x1;
	s3 =	sadd.s32 s4, s19  }
0x9c: {  	s7 =	simm.s32 $0x0;
	s20 =	sshll.u32 s5, $0x1;
	s5 =	sadd.s32 s21, s3  }
0x9d: {  	[timem:s7], [sflag:s22] =	dma.local [hbm:s5], s20  }
0x9e: {  	_ =	swait.ge [sflag:s22], s20  }
0x9f: {  	s4 =	ssub.s32 $0x0, s20;
	[sflag:s22] =	ssyncset.done $0x0  }
0xa0: {  	[sflag:s22] =	ssyncadd.s32 s4;
	_ =	sdelay $0x1  }
0xa1: {  	s23 =	simm.s32 $0x1B8B  }
0xa2: {  	_ =	swait.ge [sflag:s23], $0x1  }
0xa3: {  	[sflag:s23] =	ssyncset.done $0x0  }
0xa4: {  	s25 =	simm.s32 $0x1B8E;
	s24 =	sld [smem:$0x3FFE];
	[sflag:s23] =	ssyncadd.s32 $0xFFFFFFFF  }
0xa5: {  	s26 =	simm.s32 $execute0_lowered;
	[smem:$0x3FD2] =	sst s25  }
0xa6: {  	s5 =	sshll.u32 s26, $0x1;
	_ =	strace $0x80000046;
	[dreg:$0x1] =	wrdreg $0xFFFFFFFF  }
0xa7: {  	s28 =	simm.s32 $_size_execute0_lowered;
	s3 =	sadd.s32 s3, s5;
	[dreg:$0x0] =	wrdreg $0x0  }
0xa8: {  	s5 =	sshll.u32 s28, $0x1;
	[dreg:$0x2] =	wrdreg s3  }
0xa9: {  	[dreg:$0x3] =	wrdreg s5  }
0xaa: {  	[dreg:$0x4] =	wrdreg $0xC0  }
0xab: {  	_ =	task [dreg:s7], $0x5FFFF  }
0xac: {  	[dreg:$0x1] =	wrdreg $0xFFFFFFFF  }
0xad: {  	[dreg:$0x0] =	wrdreg $0x60  }
0xae: {  	[dreg:$0x2] =	wrdreg s2  }
0xaf: {  	[dreg:$0x3] =	wrdreg s24  }
0xb0: {  	[dreg:$0x4] =	wrdreg $0x9  }
0xb1: {  	_ =	task.clear_ibuf [dreg:s7], $0x5FFFF;
	_ =	strace $0x90000046  }
0xb2: {  	s29 =	simm.s32 $0x9;
	_ =	strace $0x80000048  }
0xb3: {  	_ =	swait.ge [sflag:s29], $0x1  }
0xb4: {  	[sflag:s29] =	ssyncadd.s32 $0xFFFFFFFF  }
0xb5: {  	_ =	strace $0x90000048  }
0xb6: {  	_ =	sfence  }
0xb7: {  	s30 =	sld [smem:$0x0];
	_ =	sdelay $0x2  }
0xb8: {  	s31 =	sshll.u32 s1, $0xD;
	s1 =	sshrl.u32 s1, $0x2  }
0xb9: {  	s3 =	sand.u32 $0x4000, s31;
	s1 =	sadd.s32 s1, s30  }
0xba: {  	s0 =	sor.u32 s3, s0;
	s1 =	sshll.u32 s1, $0x11  }
0xbb: {  	s0 =	sor.u32 s1, s0  }
0xbc: {  	s0 =	sadd.s32 $0x8F2B, s0  }
0xbd: {  	[sflag:s0] =	ssyncadd.remote.s32 $0x1  }
0xbe: {  	_ =	sfence.sel $0xFFFF  }
0xbf: {  	[dreg:$0x0] =	wrdreg $0xFFFFFFFF;
	(pc) =	sbr.abs _section_cstart, $3  }
0xc0: {  	[dreg:$0x1] =	wrdreg $0xFFFFFFFF  }
0xc1: {  	_ =	task.clear_ibuf [dreg:s7], $0x2FFFF;
	_ =	strace $0x9FFFFFFF  }
0xc2: {  	(tm) =	ssettm $0x7FFFFFFF  }
0xc3: {  	_ =	shalt  }
tec
execute0_lowered:
.L_overlay_start_1:
0x0: {  	(tag) =	ssettag $0x1  }
0x1: {  	s7 =	rddreg [dreg:$0x0]  }
0x2: {  	s3 =	rddreg [dreg:$0x1];
	s1 =	simm.s32 $0x0  }
0x3: {  	v0 =	vimm.f32 $0.0e+00;
	[smem:$0x7FF] =	sst s1  }
0x4: {  	s0 =	rddreg [dreg:$0x2];
	_ =	strace $0x80000047;
	[tilespmem:$0x230] =	vst v0  }
0x5: {  	[tilespmem:$0x240] =	vst v0  }
0x6: {  	[tilespmem:$0x250] =	vst v0  }
0x7: {  	[tilespmem:$0x260] =	vst v0  }
0x8: {  	v1 =	vimm.f32 $1.000000000e+00;
	[tilespmem:$0x270] =	vst v0  }
0x9: {  	[tilespmem:$0x100] =	vst v1  }
0xa: {  	[tilespmem:$0x3F0] =	vst v0  }
0xb: {  	[tilespmem:$0x3E0] =	vst v0  }
0xc: {  	[tilespmem:$0x3D0] =	vst v0  }
0xd: {  	[tilespmem:$0x3C0] =	vst v0  }
0xe: {  	[tilespmem:$0x3B0] =	vst v0  }
0xf: {  	[tilespmem:$0x3A0] =	vst v0  }
0x10: {  	[tilespmem:$0x390] =	vst v0  }
0x11: {  	[tilespmem:$0x380] =	vst v0  }
0x12: {  	[tilespmem:$0x370] =	vst v0  }
0x13: {  	[tilespmem:$0x360] =	vst v0  }
0x14: {  	[tilespmem:$0x350] =	vst v0  }
0x15: {  	[tilespmem:$0x340] =	vst v0  }
0x16: {  	[tilespmem:$0x330] =	vst v0  }
0x17: {  	[tilespmem:$0x320] =	vst v0  }
0x18: {  	[tilespmem:$0x310] =	vst v0  }
0x19: {  	[tilespmem:$0x300] =	vst v0  }
0x1a: {  	[tilespmem:$0x2F0] =	vst v0  }
0x1b: {  	[tilespmem:$0x2E0] =	vst v0  }
0x1c: {  	[tilespmem:$0x2D0] =	vst v0  }
0x1d: {  	[tilespmem:$0x2C0] =	vst v0  }
0x1e: {  	[tilespmem:$0x2B0] =	vst v0  }
0x1f: {  	[tilespmem:$0x2A0] =	vst v0  }
0x20: {  	[tilespmem:$0x290] =	vst v0  }
0x21: {  	[tilespmem:$0x280] =	vst v0  }
0x22: {  	[tilespmem:$0x220] =	vst v0  }
0x23: {  	[tilespmem:$0x210] =	vst v0  }
0x24: {  	[tilespmem:$0x200] =	vst v0  }
0x25: {  	[tilespmem:$0x1F0] =	vst v0  }
0x26: {  	[tilespmem:$0x1E0] =	vst v0  }
0x27: {  	[tilespmem:$0x1D0] =	vst v0  }
0x28: {  	[tilespmem:$0x1C0] =	vst v0  }
0x29: {  	[tilespmem:$0x1B0] =	vst v0  }
0x2a: {  	[tilespmem:$0x1A0] =	vst v0  }
0x2b: {  	[tilespmem:$0x190] =	vst v0  }
0x2c: {  	s2 =	srdreg.scid;
	[tilespmem:$0x180] =	vst v0  }
0x2d: {  	s10 =	sand.u32 $0x1, s2;
	[tilespmem:$0x170] =	vst v1  }
0x2e: {  	s2 =	stileid.u32;
	s8 =	smul.u32 $0x2800, s10;
	[tilespmem:$0x160] =	vst v1  }
0x2f: {  	s4 =	smul.u32 $0x280, s2;
	[tilespmem:$0x150] =	vst v1  }
0x30: {  	[tilespmem:$0x140] =	vst v1  }
0x31: {  	[tilespmem:$0x130] =	vst v1;
	s4 =	sadd.s32 s4, s8  }
0x32: {  	s3 =	sadd.s32 $0x3200, s3;
	[tilespmem:$0x120] =	vst v1;
	s4 =	sshrl.u32 s4, $0x3  }
0x33: {  	s6 =	simm.s32 $0x180;
	[tilespmem:$0x110] =	vst v1;
	s5 =	sadd.s32 s3, s4;
	s4 =	simm.s32 $0x1  }
0x34: {  	[hbm4b:s5+s1] =	stream.linear.scatter [tilespmem:s6], [sflag:$0x1], $0x280, $0x38;
	[tilespmem:$0x400] =	vst v63  }
0x35: {  	_ =	swait.ge [sflag:s4], $0x280  }
0x36: {  	s9 =	sshll.u32 s2, $0x5;
	[sflag:s4] =	ssyncset.done $0x0  }
0x37: {  	s11 =	sshll.u32 s10, $0x9;
	s7 =	sadd.s32 s7, s9;
	[sflag:s4] =	ssyncadd.s32 $0xFFFFFD80  }
0x38: {  	s7 =	sadd.s32 s11, s7;
	[bflag:$0x0] =	sbarrier.arrive $0xFFFF  }
0x39: {  	[tilespmem:s1], [sflag:$0x1] =	stream.linear.gather [hbm4b:s7+s1], $0x80, $0x38;
	[tilespmem:$0x400] =	vst v63  }
0x3a: {  	_ =	swait.ge [sflag:s4], $0x80  }
0x3b: {  	[sflag:s4] =	ssyncset.done $0x0  }
0x3c: {  	[sflag:s4] =	ssyncadd.s32 $0xFFFFFF80  }
0x3d: {  	v3 =	vld [tilespmem:$0x70]  }
0x3e: {  	v4 =	vld [tilespmem:$0x50]  }
0x3f: {  	v5 =	vld [tilespmem:$0x60]  }
0x40: {  	v8 =	vld [tilespmem:$0x20]  }
0x41: {  	v2 =	vmov s8;
	v6 =	vld [tilespmem:$0x0]  }
0x42: {  	v7 =	vld [tilespmem:$0x40];
	v3 =	vadd.s32 v2, v3  }
0x43: {  	v9 =	vld [tilespmem:$0x30];
	v4 =	vadd.s32 v2, v4;
	[tilespmem:$0xF0] =	vst v3  }
0x44: {  	v3 =	vld [tilespmem:$0x10];
	[tilespmem:$0xD0] =	vst v4;
	v4 =	vadd.s32 v2, v5  }
0x45: {  	v5 =	vadd.s32 v2, v8;
	[tilespmem:$0xE0] =	vst v4  }
0x46: {  	v4 =	vadd.s32 v2, v6;
	[tilespmem:$0xA0] =	vst v5  }
0x47: {  	[tilespmem:$0x80] =	vst v4;
	v4 =	vadd.s32 v2, v7  }
0x48: {  	[tilespmem:$0xC0] =	vst v4;
	v4 =	vadd.s32 v2, v9  }
0x49: {  	s31 =	ssub.s32 $0x2, s10;
	[tilespmem:$0xB0] =	vst v4;
	v3 =	vadd.s32 v2, v3  }
0x4a: {  	s9 =	simm.s32 $0x100;
	s12 =	sshrl.u32 s31, $0x1;
	s8 =	simm.s32 $0x80;
	[tilespmem:$0x90] =	vst v3  }
0x4b: {  	[hbm4b:s3+s8] =	stream.indirect.scatter [tilespmem:s9], [sflag:$0x1], $0x1, s8, s8, $0xb8;
	[tilespmem:$0x400] =	vst v63  }
0x4c: {  	s11 =	ssub.s32 s31, s12;
	_ =	swait.ge [sflag:s4], $0x80  }
0x4d: {  	s11 =	smax.u32 s11, $0x1;
	[sflag:s4] =	ssyncset.done $0x0  }
0x4e: {  	s10 =	sadd.s32 $0x10, s7;
	p0 =	sne.s32 s11, $0x1;
	[sflag:s4] =	ssyncadd.s32 $0xFFFFFF80  }
0x4f: {  	[tilespmem:s1], [sflag:$0x1] =	stream.linear.gather [hbm4b:s10+s1], $0x80, $0x38;
	[tilespmem:$0x400] =	vst v63  }
.Ltmp0:
0x50: {  	_ =	swait.ge [sflag:s4], $0x80;
	(pc) =	sbr.rel @!p0 .LBB2_2-.Ltmp0, $4  }
0x51: {  	[sflag:s4] =	ssyncset.done $0x0  }
0x52: {  	[sflag:s4] =	ssyncadd.s32 $0xFFFFFF80  }
0x53: {  	v3 =	vld [tilespmem:$0x40]  }
0x54: {  	s11 =	sadd.s32 $0xFFFFFFFF, s11;
	v4 =	vld [tilespmem:$0x70]  }
.LBB2_1:
0x55: {  	p0 =	sne.s32 s11, $0x1;
	s11 =	sadd.s32 $0xFFFFFFFF, s11;
	v5 =	vld [tilespmem:$0x30]  }
0x56: {  	v6 =	vld [tilespmem:$0x10]  }
0x57: {  	v7 =	vld [tilespmem:$0x20]  }
0x58: {  	v8 =	vld [tilespmem:$0x50]  }
0x59: {  	v9 =	vld [tilespmem:$0x60];
	v4 =	vadd.s32 v2, v4  }
0x5a: {  	v10 =	vld [tilespmem:$0x0];
	[tilespmem:$0xF0] =	vst v4  }
0x5b: {  	v5 =	vadd.s32 v2, v5;
	v4 =	vadd.s32 v2, v6  }
0x5c: {  	v3 =	vadd.s32 v2, v3;
	v6 =	vadd.s32 v2, v7;
	[tilespmem:$0xB0] =	vst v5  }
0x5d: {  	[tilespmem:$0xC0] =	vst v3;
	v3 =	vadd.s32 v2, v8  }
0x5e: {  	[tilespmem:$0xD0] =	vst v3;
	v3 =	vadd.s32 v2, v9  }
0x5f: {  	v5 =	vadd.s32 v2, v10;
	[tilespmem:$0xE0] =	vst v3  }
0x60: {  	[tilespmem:$0x80] =	vst v5  }
0x61: {  	[tilespmem:$0x90] =	vst v4  }
0x62: {  	[tilespmem:$0xA0] =	vst v6  }
0x63: {  	[hbm4b:s3+s8] =	stream.indirect.scatter [tilespmem:s9], [sflag:$0x1], $0x1, s8, s8, $0xb8;
	[tilespmem:$0x400] =	vst v63  }
0x64: {  	_ =	swait.ge [sflag:s4], $0x80  }
0x65: {  	[sflag:s4] =	ssyncset.done $0x0  }
0x66: {  	[sflag:s4] =	ssyncadd.s32 $0xFFFFFF80  }
0x67: {  	[tilespmem:$0x230] =	vst v0  }
0x68: {  	[tilespmem:$0x240] =	vst v0  }
0x69: {  	[tilespmem:$0x250] =	vst v0  }
0x6a: {  	[tilespmem:$0x260] =	vst v0  }
0x6b: {  	[tilespmem:$0x270] =	vst v0  }
0x6c: {  	[tilespmem:$0x100] =	vst v1  }
0x6d: {  	[tilespmem:$0x3F0] =	vst v0  }
0x6e: {  	[tilespmem:$0x3E0] =	vst v0  }
0x6f: {  	[tilespmem:$0x3D0] =	vst v0  }
0x70: {  	[tilespmem:$0x3C0] =	vst v0  }
0x71: {  	[tilespmem:$0x3B0] =	vst v0  }
0x72: {  	[tilespmem:$0x3A0] =	vst v0  }
0x73: {  	[tilespmem:$0x390] =	vst v0  }
0x74: {  	[tilespmem:$0x380] =	vst v0  }
0x75: {  	[tilespmem:$0x370] =	vst v0  }
0x76: {  	[tilespmem:$0x360] =	vst v0  }
0x77: {  	[tilespmem:$0x350] =	vst v0  }
0x78: {  	[tilespmem:$0x340] =	vst v0  }
0x79: {  	[tilespmem:$0x330] =	vst v0  }
0x7a: {  	[tilespmem:$0x320] =	vst v0  }
0x7b: {  	[tilespmem:$0x310] =	vst v0  }
0x7c: {  	[tilespmem:$0x300] =	vst v0  }
0x7d: {  	[tilespmem:$0x2F0] =	vst v0  }
0x7e: {  	[tilespmem:$0x2E0] =	vst v0  }
0x7f: {  	[tilespmem:$0x2D0] =	vst v0  }
0x80: {  	[tilespmem:$0x2C0] =	vst v0  }
0x81: {  	[tilespmem:$0x2B0] =	vst v0  }
0x82: {  	[tilespmem:$0x2A0] =	vst v0  }
0x83: {  	[tilespmem:$0x290] =	vst v0  }
0x84: {  	[tilespmem:$0x280] =	vst v0  }
0x85: {  	[tilespmem:$0x220] =	vst v0  }
0x86: {  	[tilespmem:$0x210] =	vst v0  }
0x87: {  	[tilespmem:$0x200] =	vst v0  }
0x88: {  	[tilespmem:$0x1F0] =	vst v0  }
0x89: {  	[tilespmem:$0x1E0] =	vst v0  }
0x8a: {  	[tilespmem:$0x1D0] =	vst v0  }
0x8b: {  	[tilespmem:$0x1C0] =	vst v0  }
0x8c: {  	[tilespmem:$0x1B0] =	vst v0  }
0x8d: {  	[tilespmem:$0x1A0] =	vst v0  }
0x8e: {  	[tilespmem:$0x190] =	vst v0  }
0x8f: {  	[tilespmem:$0x180] =	vst v0  }
0x90: {  	[tilespmem:$0x170] =	vst v1  }
0x91: {  	[tilespmem:$0x160] =	vst v1  }
0x92: {  	[tilespmem:$0x150] =	vst v1  }
0x93: {  	[tilespmem:$0x140] =	vst v1  }
0x94: {  	[tilespmem:$0x130] =	vst v1  }
0x95: {  	[tilespmem:$0x120] =	vst v1  }
0x96: {  	[tilespmem:$0x110] =	vst v1  }
0x97: {  	[hbm4b:s5+s1] =	stream.linear.scatter [tilespmem:s6], [sflag:$0x1], $0x280, $0x38;
	[tilespmem:$0x400] =	vst v63  }
0x98: {  	_ =	swait.ge [sflag:s4], $0x280  }
0x99: {  	[sflag:s4] =	ssyncset.done $0x0  }
0x9a: {  	[sflag:s4] =	ssyncadd.s32 $0xFFFFFD80  }
0x9b: {  	[bflag:$0x0] =	sbarrier.arrive $0xFFFF  }
0x9c: {  	[tilespmem:s1], [sflag:$0x1] =	stream.linear.gather [hbm4b:s7+s1], $0x80, $0x38;
	[tilespmem:$0x400] =	vst v63  }
0x9d: {  	_ =	swait.ge [sflag:s4], $0x80  }
0x9e: {  	[sflag:s4] =	ssyncset.done $0x0  }
0x9f: {  	[sflag:s4] =	ssyncadd.s32 $0xFFFFFF80  }
0xa0: {  	v3 =	vld [tilespmem:$0x70]  }
0xa1: {  	v4 =	vld [tilespmem:$0x50]  }
0xa2: {  	v5 =	vld [tilespmem:$0x60]  }
0xa3: {  	v6 =	vld [tilespmem:$0x20]  }
0xa4: {  	v7 =	vld [tilespmem:$0x0]  }
0xa5: {  	v8 =	vld [tilespmem:$0x40];
	v3 =	vadd.s32 v2, v3  }
0xa6: {  	v9 =	vld [tilespmem:$0x30];
	v4 =	vadd.s32 v2, v4;
	[tilespmem:$0xF0] =	vst v3  }
0xa7: {  	v3 =	vld [tilespmem:$0x10];
	[tilespmem:$0xD0] =	vst v4;
	v4 =	vadd.s32 v2, v5  }
0xa8: {  	[tilespmem:$0xE0] =	vst v4  }
0xa9: {  	v4 =	vadd.s32 v2, v7  }
0xaa: {  	[tilespmem:$0x80] =	vst v4;
	v4 =	vadd.s32 v2, v6;
	v5 =	vadd.s32 v2, v8  }
0xab: {  	v6 =	vadd.s32 v2, v9;
	[tilespmem:$0xC0] =	vst v5  }
0xac: {  	v3 =	vadd.s32 v2, v3;
	[tilespmem:$0xA0] =	vst v4  }
0xad: {  	[tilespmem:$0xB0] =	vst v6  }
0xae: {  	[tilespmem:$0x90] =	vst v3  }
0xaf: {  	[hbm4b:s3+s8] =	stream.indirect.scatter [tilespmem:s9], [sflag:$0x1], $0x1, s8, s8, $0xb8;
	[tilespmem:$0x400] =	vst v63  }
0xb0: {  	_ =	swait.ge [sflag:s4], $0x80  }
0xb1: {  	[sflag:s4] =	ssyncset.done $0x0  }
0xb2: {  	[sflag:s4] =	ssyncadd.s32 $0xFFFFFF80  }
0xb3: {  	[tilespmem:s1], [sflag:$0x1] =	stream.linear.gather [hbm4b:s10+s1], $0x80, $0x38;
	[tilespmem:$0x400] =	vst v63  }
.Ltmp1:
0xb4: {  	_ =	swait.ge [sflag:s4], $0x80;
	(pc) =	sbr.rel @p0 .LBB2_1-.Ltmp1, $4  }
0xb5: {  	[sflag:s4] =	ssyncset.done $0x0  }
0xb6: {  	[sflag:s4] =	ssyncadd.s32 $0xFFFFFF80  }
0xb7: {  	v3 =	vld [tilespmem:$0x40]  }
0xb8: {  	v4 =	vld [tilespmem:$0x70]  }
.LBB2_2:
0xb9: {  	v0 =	vld [tilespmem:$0x30]  }
0xba: {  	v1 =	vld [tilespmem:$0x50]  }
0xbb: {  	v5 =	vld [tilespmem:$0x60]  }
0xbc: {  	v6 =	vld [tilespmem:$0x0];
	v58 =	vadd.s32 v2, v3  }
0xbd: {  	v7 =	vld [tilespmem:$0x10];
	v4 =	vadd.s32 v2, v4;
	[tilespmem:$0xC0] =	vst v58  }
0xbe: {  	v57 =	vld [tilespmem:$0x20];
	[tilespmem:$0xF0] =	vst v4;
	v0 =	vadd.s32 v2, v0  }
0xbf: {  	v59 =	vadd.s32 v2, v1;
	[tilespmem:$0xB0] =	vst v0  }
0xc0: {  	v60 =	vadd.s32 v2, v5;
	[tilespmem:$0xD0] =	vst v59  }
0xc1: {  	v61 =	vadd.s32 v2, v6;
	[tilespmem:$0xE0] =	vst v60  }
0xc2: {  	v62 =	vadd.s32 v2, v7;
	[tilespmem:$0x80] =	vst v61  }
0xc3: {  	v63 =	vadd.s32 v2, v57;
	[tilespmem:$0x90] =	vst v62  }
0xc4: {  	[tilespmem:$0xA0] =	vst v63  }
0xc5: {  	[hbm4b:s3+s8] =	stream.indirect.scatter [tilespmem:s9], [sflag:$0x1], $0x1, s8, s8, $0xb8;
	[tilespmem:$0x400] =	vst v63  }
0xc6: {  	_ =	swait.ge [sflag:s4], $0x80  }
0xc7: {  	[sflag:s4] =	ssyncset.done $0x0  }
0xc8: {  	[sflag:s4] =	ssyncadd.s32 $0xFFFFFF80  }
0xc9: {  	_ =	sfence.sel $0x180000  }
0xca: {  	[bflag:$0x0] =	sbarrier.arrive $0xFFFF  }
0xcb: {  	p0 =	sne.s32 s2, $0x0;
	_ =	strace $0x90000047  }
0xcc: {  	s0 =	sadd.s32 @!p0 $0x100000, s0;
	[bflag:$0x2] =	sbarrier.arrive $0xFFFF  }
0xcd: {  	[sflag:s0] =	ssyncadd.tile.s32 @!p0 $0x1;
	_ =	shalt  }
.Lfunc_end2:
_tile_overlayer_lowered:
.L_overlay_start_2:
0xce: {  	(tag) =	ssettag $0x2  }
0xcf: {  	s0 =	rddreg [dreg:$0x0];
	s2 =	stileid.u32  }
0xd0: {  	s1 =	rddreg [dreg:$0x1];
	p0 =	sne.s32 s2, $0x0  }
0xd1: {  	s3 =	rddreg [dreg:$0x2];
	[bflag:$0x3] =	sbarrier.arrive $0xFFFF;
	s2 =	simm.s32 @!p0 $0x1C01  }
0xd2: {  	[timem:s3], [sflag:s2] =	dma.local @!p0 [hbm:s0], s1  }
0xd3: {  	s0 =	simm.s32 @!p0 $0x1  }
0xd4: {  	_ =	swait.ge @!p0 [sflag:s0], s1  }
0xd5: {  	s1 =	ssub.s32 @!p0 $0x0, s1;
	[sflag:s0] =	ssyncset.done @!p0 $0x0  }
0xd6: {  	[sflag:s0] =	ssyncadd.s32 @!p0 s1  }
0xd7: {  	[bflag:$0x3] =	sbarrier.arrive $0xFFFF  }
0xd8: {  	_ =	shalt  }

// kernel: kernel.15.cloned.1.call-start
scs
__scs_entry_jumppad:
0x0: {  	(pc) =	sbr.rel $0x88, $3  }
0x1: {  	(tag) =	ssettag $0x0;
	lr =	simm.s32 $0x1  }
0x2: {  	[smem:$0x3F98] =	sst lr;
	_ =	strace $0xD0000000  }
0x3: {  	_ = 	snop  }
0x4: {  	_ = 	snop  }
0x5: {  	_ = 	snop  }
0x6: {  	_ = 	snop  }
0x7: {  	_ = 	snop  }
__scs_overlays_trampoline_lowered:
0x8: {  	[smem:$0x3FA7] =	sst s0  }
0x9: {  	[smem:$0x3FA8] =	sst s1  }
0xa: {  	[smem:$0x3FA9] =	sst s2  }
0xb: {  	[smem:$0x3FAA] =	sst s3  }
0xc: {  	[smem:$0x3FAB] =	sst s4  }
0xd: {  	[smem:$0x3FAC] =	sst s5  }
0xe: {  	[smem:$0x3FAD] =	sst s6  }
0xf: {  	[smem:$0x3FAE] =	sst s7  }
0x10: {  	[smem:$0x3FAF] =	sst s8  }
0x11: {  	[smem:$0x3FB0] =	sst s9;
	s0 =	simm.s32 @!p0 $0x0  }
0x12: {  	s1 =	sld [smem:$0x3F96];
	s0 =	simm.s32 @p0 $0x1  }
0x13: {  	[smem:$0x3FB1] =	sst s0;
	s0 =	simm.s32 @!p1 $0x0  }
0x14: {  	s2 =	sld [smem:$0x3F95];
	s0 =	simm.s32 @p1 $0x1  }
0x15: {  	[smem:$0x3FB2] =	sst s0;
	s0 =	simm.s32 @!p2 $0x0  }
0x16: {  	s3 =	sld [smem:$0x3FDB];
	s0 =	simm.s32 @p2 $0x1  }
0x17: {  	s4 =	simm.s32 $0x1BF5;
	[smem:$0x3FB4] =	sst s0  }
0x18: {  	s0 =	sld [smem:$0x3F97];
	_ =	swait.ge [sflag:s4], $0x0  }
0x19: {  	s7 =	sld [smem:$0x3F98]  }
0x1a: {  	s8 =	sadd.s32 $0xFFFFE003, lr  }
0x1b: {  	s9 =	sadd.s32 $0xFFFFFEF7, lr;
	s5 =	simm.s32 $0xFFFFFFFF;
	p2 =	slt.u32 s8, $0xFFFFF086  }
0x1c: {  	p1 =	slt.u32 s9, $0xF7A;
	s5 =	simm.s32 @!p2 $0x0  }
0x1d: {  	s5 =	simm.s32 @p1 $0x1;
	p0 =	seq.s32 s7, s2  }
0x1e: {  	s7 =	smul.u32 @!p0 $0xF7A, s2;
	p2 =	seq.s32 @!p0 s5, $0x0  }
0x1f: {  	s9 =	smul.u32 $0xF7A, s1;
	s8 =	simm.s32 @!p0 $0x1BF5;
	p2 =	por !p2, p0  }
0x20: {  	[sflag:s8] =	ssyncset.s32 @!p0 $0xFFFFF086;
	s6 =	sadd.s32 @!p0 s3, s7;
	s7 =	simm.s32 @!p0 $0x108  }
0x21: {  	s3 =	sadd.s32 s3, s9;
	s6 =	sadd.s32 @!p0 $0x88, s6;
	s7 =	simm.s32 @p2 $0x1082  }
0x22: {  	[simem:s7], [sflag:s8] =	dma.local @!p0 [hbm:s6], $0xF7A  }
0x23: {  	s9 =	sor.u32 $0xD0000000, s2;
	s6 =	simm.s32 $0x108;
	_ =	swait.ge @!p0 [sflag:s8], $0x0  }
0x24: {  	s3 =	sadd.s32 $0x88, s3;
	s6 =	simm.s32 @!p1 $0x1082;
	[sflag:s4] =	ssyncset.s32 $0xFFFFF086  }
0x25: {  	[simem:s6], [sflag:s4] =	dma.local [hbm:s3], $0xF7A  }
0x26: {  	[smem:$0x3F98] =	sst s1;
	(tag) =	ssettag s2;
	_ =	strace s9  }
0x27: {  	s1 =	sld [smem:$0x3FA8]  }
0x28: {  	s2 =	sld [smem:$0x3FA9]  }
0x29: {  	s4 =	sld [smem:$0x3FAB]  }
0x2a: {  	p0 =	seq.s32 s5, $0x0;
	s5 =	sld [smem:$0x3FAC]  }
0x2b: {  	s6 =	sld [smem:$0x3FAD]  }
0x2c: {  	s7 =	sld [smem:$0x3FAE]  }
0x2d: {  	s3 =	simm.s32 $0x108;
	s8 =	sld [smem:$0x3FAF]  }
0x2e: {  	s3 =	simm.s32 @!p0 $0x1082;
	s9 =	sld [smem:$0x3FB0]  }
0x2f: {  	lr =	sadd.s32 s0, s3;
	s0 =	sld [smem:$0x3FA7]  }
0x30: {  	s3 =	sld [smem:$0x3FAA]  }
0x31: {  	[smem:$0x3FB3] =	sst s10  }
0x32: {  	s10 =	sld [smem:$0x3FB1];
	_ =	sdelay $0x3  }
0x33: {  	p0 =	seq.s32 s10, $0x1;
	s10 =	sld [smem:$0x3FB3];
	_ =	sdelay $0x3  }
0x34: {  	[smem:$0x3FB3] =	sst s10  }
0x35: {  	s10 =	sld [smem:$0x3FB2];
	_ =	sdelay $0x3  }
0x36: {  	p1 =	seq.s32 s10, $0x1;
	s10 =	sld [smem:$0x3FB3];
	_ =	sdelay $0x3  }
0x37: {  	[smem:$0x3FB3] =	sst s10  }
0x38: {  	s10 =	sld [smem:$0x3FB4]  }
0x39: {  	_ = 	snop;
	(pc) =	sbr.ind lr, $3  }
0x3a: {  	_ = 	snop  }
0x3b: {  	_ = 	snop  }
0x3c: {  	p2 =	seq.s32 s10, $0x1;
	s10 =	sld [smem:$0x3FB3]  }
0x3d: {  	_ =	shalt  }
0x3e: {  	_ =	shalt  }
0x3f: {  	_ =	shalt  }
0x40: {  	_ =	shalt  }
0x41: {  	_ =	shalt  }
0x42: {  	_ =	shalt  }
0x43: {  	_ =	shalt  }
0x44: {  	_ =	shalt  }
0x45: {  	_ =	shalt  }
0x46: {  	_ =	shalt  }
0x47: {  	_ =	shalt  }
0x48: {  	_ =	shalt  }
0x49: {  	_ =	shalt  }
0x4a: {  	_ =	shalt  }
0x4b: {  	_ =	shalt  }
0x4c: {  	_ =	shalt  }
0x4d: {  	_ =	shalt  }
0x4e: {  	_ =	shalt  }
0x4f: {  	_ =	shalt  }
0x50: {  	_ =	shalt  }
0x51: {  	_ =	shalt  }
0x52: {  	_ =	shalt  }
0x53: {  	_ =	shalt  }
0x54: {  	_ =	shalt  }
0x55: {  	_ =	shalt  }
0x56: {  	_ =	shalt  }
0x57: {  	_ =	shalt  }
0x58: {  	_ =	shalt  }
0x59: {  	_ =	shalt  }
0x5a: {  	_ =	shalt  }
0x5b: {  	_ =	shalt  }
0x5c: {  	_ =	shalt  }
0x5d: {  	_ =	shalt  }
0x5e: {  	_ =	shalt  }
0x5f: {  	_ =	shalt  }
0x60: {  	_ =	shalt  }
0x61: {  	_ =	shalt  }
0x62: {  	_ =	shalt  }
0x63: {  	_ =	shalt  }
0x64: {  	_ =	shalt  }
0x65: {  	_ =	shalt  }
0x66: {  	_ =	shalt  }
0x67: {  	_ =	shalt  }
0x68: {  	_ =	shalt  }
0x69: {  	_ =	shalt  }
0x6a: {  	_ =	shalt  }
0x6b: {  	_ =	shalt  }
0x6c: {  	_ =	shalt  }
0x6d: {  	_ =	shalt  }
0x6e: {  	_ =	shalt  }
0x6f: {  	_ =	shalt  }
0x70: {  	_ =	shalt  }
0x71: {  	_ =	shalt  }
0x72: {  	_ =	shalt  }
0x73: {  	_ =	shalt  }
0x74: {  	_ =	shalt  }
0x75: {  	_ =	shalt  }
0x76: {  	_ =	shalt  }
0x77: {  	_ =	shalt  }
0x78: {  	_ =	shalt  }
0x79: {  	_ =	shalt  }
0x7a: {  	_ =	shalt  }
0x7b: {  	_ =	shalt  }
0x7c: {  	_ =	shalt  }
0x7d: {  	_ =	shalt  }
0x7e: {  	_ =	shalt  }
0x7f: {  	_ =	shalt  }
0x80: {  	_ =	shalt  }
0x81: {  	_ =	shalt  }
0x82: {  	_ =	shalt  }
0x83: {  	_ =	shalt  }
0x84: {  	_ =	shalt  }
0x85: {  	_ =	shalt  }
0x86: {  	_ =	shalt  }
0x87: {  	_ =	shalt  }
.Lfunc_end0:
.L_simem_size_0:
called_computation.1_lowered:
.L_overlay_start_0:
0x88: {  	s2 =	sld [smem:$0x3FD9]  }
0x89: {  	s3 =	sld [smem:$0x3FFE];
	_ =	sdelay $0x1  }
0x8a: {  	s1 =	srdreg.scid  }
0x8b: {  	s0 =	sand.u32 $0x1, s1  }
0x8c: {  	s16 =	sshll.u32 s0, $0xA;
	s2 =	sadd.s32 s3, s2  }
0x8d: {  	s2 =	sadd.s32 s2, s16  }
0x8e: {  	[smem:$0x3FBF] =	sst s2  }
0x8f: {  	_ = 	snop  }
0x90: {  	(tm) =	ssettm $0x1  }
0x91: {  	s17 =	sld [smem:$0x3FFB];
	_ =	sdelay $0x3  }
0x92: {  	_ =	strace s17  }
0x93: {  	s2 =	sld [smem:$0x3FFC];
	_ =	sdelay $0x3  }
0x94: {  	_ =	strace s2  }
0x95: {  	s2 =	sld [smem:$0x3FFD];
	_ =	sdelay $0x3  }
0x96: {  	_ =	strace s2  }
0x97: {  	_ =	strace $0x8FFFFFFF  }
0x98: {  	s18 =	sld [smem:$0x3FDB];
	_ =	sdelay $0x1  }
0x99: {  	s19 =	simm.s32 $_scs_section_size  }
0x9a: {  	s4 =	simm.s32 $_size__tile_overlayer_lowered;
	s5 =	simm.s32 $_tile_overlayer_lowered  }
0x9b: {  	s22 =	simm.s32 $0x1BFF;
	s21 =	sshll.u32 s5, $0x1;
	s2 =	sadd.s32 s19, s18  }
0x9c: {  	s6 =	simm.s32 $0x0;
	s20 =	sshll.u32 s4, $0x1;
	s4 =	sadd.s32 s21, s2  }
0x9d: {  	[timem:s6], [sflag:s22] =	dma.local [hbm:s4], s20  }
0x9e: {  	_ =	swait.ge [sflag:s22], s20  }
0x9f: {  	s3 =	ssub.s32 $0x0, s20;
	[sflag:s22] =	ssyncset.done $0x0  }
0xa0: {  	[sflag:s22] =	ssyncadd.s32 s3;
	_ =	sdelay $0x1  }
0xa1: {  	s23 =	simm.s32 $0x1B8B  }
0xa2: {  	_ =	swait.ge [sflag:s23], $0x1  }
0xa3: {  	[sflag:s23] =	ssyncset.done $0x0  }
0xa4: {  	s25 =	simm.s32 $0x1B8E;
	s24 =	sld [smem:$0x3FFE];
	[sflag:s23] =	ssyncadd.s32 $0xFFFFFFFF  }
0xa5: {  	s26 =	simm.s32 $execute0_lowered;
	[smem:$0x3FD2] =	sst s25  }
0xa6: {  	s4 =	sshll.u32 s26, $0x1;
	_ =	strace $0x80000049;
	[dreg:$0x1] =	wrdreg $0xFFFFFFFF  }
0xa7: {  	s28 =	simm.s32 $_size_execute0_lowered;
	s2 =	sadd.s32 s2, s4;
	[dreg:$0x0] =	wrdreg $0x0  }
0xa8: {  	s4 =	sshll.u32 s28, $0x1;
	[dreg:$0x2] =	wrdreg s2  }
0xa9: {  	[dreg:$0x3] =	wrdreg s4  }
0xaa: {  	[dreg:$0x4] =	wrdreg $0xC0  }
0xab: {  	_ =	task [dreg:s6], $0x5FFFF  }
0xac: {  	[dreg:$0x1] =	wrdreg $0xFFFFFFFF  }
0xad: {  	[dreg:$0x0] =	wrdreg $0x60  }
0xae: {  	[dreg:$0x2] =	wrdreg s24  }
0xaf: {  	[dreg:$0x3] =	wrdreg $0x9  }
0xb0: {  	_ =	task.clear_ibuf [dreg:s6], $0x4FFFF;
	_ =	strace $0x90000049  }
0xb1: {  	s29 =	simm.s32 $0x9;
	_ =	strace $0x8000004B  }
0xb2: {  	_ =	swait.ge [sflag:s29], $0x1  }
0xb3: {  	[sflag:s29] =	ssyncadd.s32 $0xFFFFFFFF  }
0xb4: {  	_ =	strace $0x9000004B  }
0xb5: {  	_ =	sfence  }
0xb6: {  	s30 =	sld [smem:$0x0];
	_ =	sdelay $0x2  }
0xb7: {  	s31 =	sshll.u32 s1, $0xD;
	s1 =	sshrl.u32 s1, $0x2  }
0xb8: {  	s3 =	sand.u32 $0x4000, s31;
	s1 =	sadd.s32 s1, s30  }
0xb9: {  	s0 =	sor.u32 s3, s0;
	s1 =	sshll.u32 s1, $0x11  }
0xba: {  	s0 =	sor.u32 s1, s0  }
0xbb: {  	s0 =	sadd.s32 $0x8F2B, s0  }
0xbc: {  	[sflag:s0] =	ssyncadd.remote.s32 $0x1  }
0xbd: {  	_ =	sfence.sel $0xFFFF  }
0xbe: {  	[dreg:$0x0] =	wrdreg $0xFFFFFFFF;
	(pc) =	sbr.abs _section_cstart, $3  }
0xbf: {  	[dreg:$0x1] =	wrdreg $0xFFFFFFFF  }
0xc0: {  	_ =	task.clear_ibuf [dreg:s6], $0x2FFFF;
	_ =	strace $0x9FFFFFFF  }
0xc1: {  	(tm) =	ssettm $0x7FFFFFFF  }
tec
execute0_lowered:
.L_overlay_start_1:
0x0: {  	(tag) =	ssettag $0x1  }
0x1: {  	s3 =	rddreg [dreg:$0x0];
	s1 =	simm.s32 $0x0;
	s2 =	srdreg.scid  }
0x2: {  	s11 =	simm.s32 $0x1080;
	s12 =	simm.s32 $0x1880;
	s13 =	simm.s32 $0x2080  }
0x3: {  	s14 =	simm.s32 $0x2880;
	s15 =	simm.s32 $0x3080;
	s16 =	simm.s32 $0x3880  }
0x4: {  	s17 =	simm.s32 $0x4080;
	s18 =	simm.s32 $0x4880;
	s19 =	simm.s32 $0x5080  }
0x5: {  	s20 =	simm.s32 $0x5880;
	s21 =	simm.s32 $0x6080;
	s22 =	simm.s32 $0x6880  }
0x6: {  	s23 =	simm.s32 $0x7080;
	s24 =	simm.s32 $0x7880;
	s25 =	simm.s32 $0x1  }
0x7: {  	s26 =	simm.s32 $0x2;
	s28 =	simm.s32 $0x0;
	[smem:$0x7FF] =	sst s1  }
0x8: {  	s4 =	sand.u32 $0x1, s2;
	s2 =	sadd.s32 $0x12000, s3;
	_ =	strace $0x8000004A  }
0x9: {  	s5 =	sshll.u32 s4, $0x8;
	s6 =	sshll.u32 s4, $0x10;
	s7 =	ssub.s32 $0x2, s4  }
0xa: {  	s10 =	sshll.u32 s4, $0x4;
	s5 =	sadd.s32 s5, s3;
	s6 =	sadd.s32 s6, s3  }
.Ltmp0:
0xb: {  	s3 =	stileid.u32;
	s8 =	sshrl.u32 s7, $0x1;
	(pc) =	sbr.rel .LBB2_1-.Ltmp0, $4  }
0xc: {  	s7 =	ssub.s32 s7, s8;
	s31 =	sshll.u32 s3, $0x4;
	s9 =	sshll.u32 s3, $0xC  }
0xd: {  	v2 =	vlaneseq.u32;
	s8 =	simm.s32 $0x3;
	s5 =	sadd.s32 s31, s5;
	s6 =	sadd.s32 s9, s6  }
0xe: {  	vm0 =	vmmov $0xffff;
	v1 =	vshrl.u32 v2, $0x3;
	s4 =	smax.u32 s7, $0x1;
	s7 =	sor.u32 s10, s3;
	s9 =	simm.s32 $0x80  }
0xf: {  	v0 =	vand.u32 $0x7, v2;
	v2 =	vor.u32 $0x8, v2;
	v1 =	vmul.u32 $0x8, v1;
	s10 =	simm.s32 $0x880;
	s5 =	sadd.s32 $0xD000, s5;
	s6 =	sadd.s32 $0x60200, s6  }
.LBB2_5:
0x10: {  	s28 =	sadd.s32 $0x1, s28  }
0x11: {  	p0 =	sne.s32 s28, s4  }
.Ltmp1:
0x12: {  	_ = 	snop;
	(pc) =	sbr.rel @!p0 .LBB2_6-.Ltmp1, $1  }
0x13: {  	_ =	sdelay $0x3  }
.LBB2_1:
.Ltmp2:
0x14: {  	(pc) =	sbr.rel .LBB2_2-.Ltmp2, $2  }
0x15: {  	_ =	sdelay $0x2  }
0x16: {  	s29 =	smov.u32 s6;
	s30 =	smov.u32 s5;
	s31 =	simm.s32 $0x0  }
.LBB2_4:
0x17: {  	s31 =	sadd.s32 $0x20, s31  }
0x18: {  	p0 =	sne.s32 s31, $0x500  }
.Ltmp3:
0x19: {  	_ = 	snop;
	(pc) =	sbr.rel @!p0 .LBB2_5-.Ltmp3, $2  }
0x1a: {  	_ =	sdelay $0x2  }
0x1b: {  	s30 =	sadd.s32 $0x200, s30;
	s29 =	sadd.s32 $0x20000, s29  }
.LBB2_2:
0x1c: {  	s0 =	sadd.s32 s31, s7  }
0x1d: {  	p0 =	sgt.u32 s0, $0x4E1  }
.Ltmp4:
0x1e: {  	_ = 	snop;
	(pc) =	sbr.rel @p0 .LBB2_4-.Ltmp4, $1  }
0x1f: {  	_ =	sdelay $0x3  }
0x20: {  	[tilespmem:s1], [sflag:$0x3] =	stream.linear.gather [hbm4b:s30+s1], $0x80, $0x38;
	[tilespmem:$0x8080] =	vst v63  }
0x21: {  	_ =	swait.ge [sflag:s8], $0x80  }
0x22: {  	[sflag:s8] =	ssyncset.done $0x0  }
0x23: {  	[sflag:s8] =	ssyncadd.s32 $0xFFFFFF80  }
0x24: {  	v3 =	vld [tilespmem:$0x0];
	_ =	sdelay $0x4  }
0x25: {  	v4 =	vshll.u32 v3, $0x1  }
0x26: {  	v3 =	vand.u32 $0x7, v3;
	v4 =	vand.u32 $0xFFFFFFF0, v4  }
0x27: {  	v3 =	vor.u32 v3, v4  }
0x28: {  	v4 =	vperm.xlane v3, v0;
	_ =	sdelay $0x1  }
0x29: {  	v3 =	vperm.xlane v3, v2;
	v4 =	vadd.s32 v1, v4;
	_ =	sdelay $0x1  }
0x2a: {  	v3 =	vadd.s32 v1, v3;
	_ =	sdelay $0x2  }
0x2b: {  	[tilespmem:s9], [sflag:$0x1] =	stream.indirect_vreg.gather [hbm4b:s2+s1], $0x80, v4, vm0, $0xb8;
	[tilespmem:$0x8080] =	vst v63  }
0x2c: {  	_ = 	snop  }
0x2d: {  	[tilespmem:s10], [sflag:$0x1] =	stream.indirect_vreg.gather [hbm4b:s2+s1], $0x80, v3, vm0, $0xb8;
	[tilespmem:$0x8080] =	vst v63  }
0x2e: {  	v3 =	vld [tilespmem:$0x10];
	_ =	sdelay $0x4  }
0x2f: {  	v57 =	vshll.u32 v3, $0x1  }
0x30: {  	v3 =	vand.u32 $0x7, v3;
	v4 =	vand.u32 $0xFFFFFFF0, v57  }
0x31: {  	v3 =	vor.u32 v3, v4  }
0x32: {  	v4 =	vperm.xlane v3, v0;
	_ =	sdelay $0x1  }
0x33: {  	v3 =	vperm.xlane v3, v2;
	v4 =	vadd.s32 v1, v4;
	_ =	sdelay $0x1  }
0x34: {  	v3 =	vadd.s32 v1, v3;
	_ =	sdelay $0x2  }
0x35: {  	[tilespmem:s11], [sflag:$0x1] =	stream.indirect_vreg.gather [hbm4b:s2+s1], $0x80, v4, vm0, $0xb8;
	[tilespmem:$0x8080] =	vst v63  }
0x36: {  	_ = 	snop  }
0x37: {  	[tilespmem:s12], [sflag:$0x1] =	stream.indirect_vreg.gather [hbm4b:s2+s1], $0x80, v3, vm0, $0xb8;
	[tilespmem:$0x8080] =	vst v63  }
0x38: {  	v3 =	vld [tilespmem:$0x20];
	_ =	sdelay $0x4  }
0x39: {  	v58 =	vshll.u32 v3, $0x1  }
0x3a: {  	v3 =	vand.u32 $0x7, v3;
	v4 =	vand.u32 $0xFFFFFFF0, v58  }
0x3b: {  	v3 =	vor.u32 v3, v4  }
0x3c: {  	v4 =	vperm.xlane v3, v0;
	_ =	sdelay $0x1  }
0x3d: {  	v3 =	vperm.xlane v3, v2;
	v4 =	vadd.s32 v1, v4;
	_ =	sdelay $0x1  }
0x3e: {  	v3 =	vadd.s32 v1, v3;
	_ =	sdelay $0x2  }
0x3f: {  	[tilespmem:s13], [sflag:$0x1] =	stream.indirect_vreg.gather [hbm4b:s2+s1], $0x80, v4, vm0, $0xb8;
	[tilespmem:$0x8080] =	vst v63  }
0x40: {  	_ = 	snop  }
0x41: {  	[tilespmem:s14], [sflag:$0x1] =	stream.indirect_vreg.gather [hbm4b:s2+s1], $0x80, v3, vm0, $0xb8;
	[tilespmem:$0x8080] =	vst v63  }
0x42: {  	v3 =	vld [tilespmem:$0x30];
	_ =	sdelay $0x4  }
0x43: {  	v59 =	vshll.u32 v3, $0x1  }
0x44: {  	v3 =	vand.u32 $0x7, v3;
	v4 =	vand.u32 $0xFFFFFFF0, v59  }
0x45: {  	v3 =	vor.u32 v3, v4  }
0x46: {  	v4 =	vperm.xlane v3, v0;
	_ =	sdelay $0x1  }
0x47: {  	v3 =	vperm.xlane v3, v2;
	v4 =	vadd.s32 v1, v4;
	_ =	sdelay $0x1  }
0x48: {  	v3 =	vadd.s32 v1, v3;
	_ =	sdelay $0x2  }
0x49: {  	[tilespmem:s15], [sflag:$0x1] =	stream.indirect_vreg.gather [hbm4b:s2+s1], $0x80, v4, vm0, $0xb8;
	[tilespmem:$0x8080] =	vst v63  }
0x4a: {  	_ = 	snop  }
0x4b: {  	[tilespmem:s16], [sflag:$0x1] =	stream.indirect_vreg.gather [hbm4b:s2+s1], $0x80, v3, vm0, $0xb8;
	[tilespmem:$0x8080] =	vst v63  }
0x4c: {  	v3 =	vld [tilespmem:$0x40];
	_ =	sdelay $0x4  }
0x4d: {  	v60 =	vshll.u32 v3, $0x1  }
0x4e: {  	v3 =	vand.u32 $0x7, v3;
	v4 =	vand.u32 $0xFFFFFFF0, v60  }
0x4f: {  	v3 =	vor.u32 v3, v4  }
0x50: {  	v4 =	vperm.xlane v3, v0;
	_ =	sdelay $0x1  }
0x51: {  	v3 =	vperm.xlane v3, v2;
	v4 =	vadd.s32 v1, v4;
	_ =	sdelay $0x1  }
0x52: {  	v3 =	vadd.s32 v1, v3;
	_ =	sdelay $0x2  }
0x53: {  	[tilespmem:s17], [sflag:$0x1] =	stream.indirect_vreg.gather [hbm4b:s2+s1], $0x80, v4, vm0, $0xb8;
	[tilespmem:$0x8080] =	vst v63  }
0x54: {  	_ = 	snop  }
0x55: {  	[tilespmem:s18], [sflag:$0x1] =	stream.indirect_vreg.gather [hbm4b:s2+s1], $0x80, v3, vm0, $0xb8;
	[tilespmem:$0x8080] =	vst v63  }
0x56: {  	v3 =	vld [tilespmem:$0x50];
	_ =	sdelay $0x4  }
0x57: {  	v61 =	vshll.u32 v3, $0x1  }
0x58: {  	v3 =	vand.u32 $0x7, v3;
	v4 =	vand.u32 $0xFFFFFFF0, v61  }
0x59: {  	v3 =	vor.u32 v3, v4  }
0x5a: {  	v4 =	vperm.xlane v3, v0;
	_ =	sdelay $0x1  }
0x5b: {  	v3 =	vperm.xlane v3, v2;
	v4 =	vadd.s32 v1, v4;
	_ =	sdelay $0x1  }
0x5c: {  	v3 =	vadd.s32 v1, v3;
	_ =	sdelay $0x2  }
0x5d: {  	[tilespmem:s19], [sflag:$0x1] =	stream.indirect_vreg.gather [hbm4b:s2+s1], $0x80, v4, vm0, $0xb8;
	[tilespmem:$0x8080] =	vst v63  }
0x5e: {  	_ = 	snop  }
0x5f: {  	[tilespmem:s20], [sflag:$0x1] =	stream.indirect_vreg.gather [hbm4b:s2+s1], $0x80, v3, vm0, $0xb8;
	[tilespmem:$0x8080] =	vst v63  }
0x60: {  	v3 =	vld [tilespmem:$0x60];
	_ =	sdelay $0x4  }
0x61: {  	v62 =	vshll.u32 v3, $0x1  }
0x62: {  	v3 =	vand.u32 $0x7, v3;
	v4 =	vand.u32 $0xFFFFFFF0, v62  }
0x63: {  	v3 =	vor.u32 v3, v4  }
0x64: {  	v4 =	vperm.xlane v3, v0;
	_ =	sdelay $0x1  }
0x65: {  	v3 =	vperm.xlane v3, v2;
	v4 =	vadd.s32 v1, v4;
	_ =	sdelay $0x1  }
0x66: {  	v3 =	vadd.s32 v1, v3;
	_ =	sdelay $0x2  }
0x67: {  	[tilespmem:s21], [sflag:$0x1] =	stream.indirect_vreg.gather [hbm4b:s2+s1], $0x80, v4, vm0, $0xb8;
	[tilespmem:$0x8080] =	vst v63  }
0x68: {  	_ = 	snop  }
0x69: {  	[tilespmem:s22], [sflag:$0x1] =	stream.indirect_vreg.gather [hbm4b:s2+s1], $0x80, v3, vm0, $0xb8;
	[tilespmem:$0x8080] =	vst v63  }
0x6a: {  	v3 =	vld [tilespmem:$0x70];
	_ =	sdelay $0x4  }
0x6b: {  	v63 =	vshll.u32 v3, $0x1  }
0x6c: {  	v3 =	vand.u32 $0x7, v3;
	v4 =	vand.u32 $0xFFFFFFF0, v63  }
0x6d: {  	v3 =	vor.u32 v3, v4  }
0x6e: {  	v4 =	vperm.xlane v3, v0;
	_ =	sdelay $0x1  }
0x6f: {  	v3 =	vperm.xlane v3, v2;
	v4 =	vadd.s32 v1, v4;
	_ =	sdelay $0x1  }
0x70: {  	v3 =	vadd.s32 v1, v3;
	_ =	sdelay $0x2  }
0x71: {  	[tilespmem:s23], [sflag:$0x1] =	stream.indirect_vreg.gather [hbm4b:s2+s1], $0x80, v4, vm0, $0xb8;
	[tilespmem:$0x8080] =	vst v63  }
0x72: {  	_ = 	snop  }
0x73: {  	[tilespmem:s24], [sflag:$0x1] =	stream.indirect_vreg.gather [hbm4b:s2+s1], $0x80, v3, vm0, $0xb8;
	[tilespmem:$0x8080] =	vst v63  }
0x74: {  	_ =	swait.ge [sflag:s25], $0x8000  }
0x75: {  	[sflag:s25] =	ssyncset.done $0x0  }
.Ltmp5:
0x76: {  	[sflag:s25] =	ssyncadd.s32 $0xFFFF8000;
	(pc) =	sbr.rel .LBB2_4-.Ltmp5, $4  }
0x77: {  	[hbm4b:s29+s1] =	stream.linear.scatter [tilespmem:s9], [sflag:$0x2], $0x8000, $0x38;
	[tilespmem:$0x8080] =	vst v63  }
0x78: {  	_ =	swait.ge [sflag:s26], $0x8000  }
0x79: {  	[sflag:s26] =	ssyncset.done $0x0  }
0x7a: {  	[sflag:s26] =	ssyncadd.s32 $0xFFFF8000  }
.LBB2_6:
0x7b: {  	_ =	sfence.sel $0x180000  }
0x7c: {  	[bflag:$0x0] =	sbarrier.arrive $0xFFFF  }
0x7d: {  	_ =	strace $0x9000004A  }
0x7e: {  	[bflag:$0x2] =	sbarrier.arrive $0xFFFF  }
0x7f: {  	p0 =	sne.s32 s3, $0x0;
	s0 =	rddreg [dreg:$0x1]  }
0x80: {  	s0 =	sadd.s32 @!p0 $0x100000, s0  }
0x81: {  	[sflag:s0] =	ssyncadd.tile.s32 @!p0 $0x1;
	_ =	shalt  }
.Lfunc_end2:
_tile_overlayer_lowered:
.L_overlay_start_2:
0x82: {  	(tag) =	ssettag $0x2  }
0x83: {  	s0 =	rddreg [dreg:$0x0];
	s2 =	stileid.u32  }
0x84: {  	s1 =	rddreg [dreg:$0x1];
	p0 =	sne.s32 s2, $0x0  }
0x85: {  	s3 =	rddreg [dreg:$0x2];
	[bflag:$0x3] =	sbarrier.arrive $0xFFFF;
	s2 =	simm.s32 @!p0 $0x1C02  }
0x86: {  	[timem:s3], [sflag:s2] =	dma.local @!p0 [hbm:s0], s1  }
0x87: {  	s0 =	simm.s32 @!p0 $0x2  }
0x88: {  	_ =	swait.ge @!p0 [sflag:s0], s1  }
0x89: {  	s1 =	ssub.s32 @!p0 $0x0, s1;
	[sflag:s0] =	ssyncset.done @!p0 $0x0  }
0x8a: {  	[sflag:s0] =	ssyncadd.s32 @!p0 s1  }
0x8b: {  	[bflag:$0x3] =	sbarrier.arrive $0xFFFF  }
0x8c: {  	_ =	shalt  }

// kernel: kernel.18.cloned.1.call-start
scs
__scs_entry_jumppad:
0x0: {  	(pc) =	sbr.rel $0x88, $3  }
0x1: {  	(tag) =	ssettag $0x0;
	lr =	simm.s32 $0x1  }
0x2: {  	[smem:$0x3F98] =	sst lr;
	_ =	strace $0xD0000000  }
0x3: {  	_ = 	snop  }
0x4: {  	_ = 	snop  }
0x5: {  	_ = 	snop  }
0x6: {  	_ = 	snop  }
0x7: {  	_ = 	snop  }
__scs_overlays_trampoline_lowered:
0x8: {  	[smem:$0x3FA7] =	sst s0  }
0x9: {  	[smem:$0x3FA8] =	sst s1  }
0xa: {  	[smem:$0x3FA9] =	sst s2  }
0xb: {  	[smem:$0x3FAA] =	sst s3  }
0xc: {  	[smem:$0x3FAB] =	sst s4  }
0xd: {  	[smem:$0x3FAC] =	sst s5  }
0xe: {  	[smem:$0x3FAD] =	sst s6  }
0xf: {  	[smem:$0x3FAE] =	sst s7  }
0x10: {  	[smem:$0x3FAF] =	sst s8  }
0x11: {  	[smem:$0x3FB0] =	sst s9;
	s0 =	simm.s32 @!p0 $0x0  }
0x12: {  	s1 =	sld [smem:$0x3F96];
	s0 =	simm.s32 @p0 $0x1  }
0x13: {  	[smem:$0x3FB1] =	sst s0;
	s0 =	simm.s32 @!p1 $0x0  }
0x14: {  	s2 =	sld [smem:$0x3F95];
	s0 =	simm.s32 @p1 $0x1  }
0x15: {  	[smem:$0x3FB2] =	sst s0;
	s0 =	simm.s32 @!p2 $0x0  }
0x16: {  	s3 =	sld [smem:$0x3FDB];
	s0 =	simm.s32 @p2 $0x1  }
0x17: {  	s4 =	simm.s32 $0x1BF5;
	[smem:$0x3FB4] =	sst s0  }
0x18: {  	s0 =	sld [smem:$0x3F97];
	_ =	swait.ge [sflag:s4], $0x0  }
0x19: {  	s7 =	sld [smem:$0x3F98]  }
0x1a: {  	s8 =	sadd.s32 $0xFFFFE003, lr  }
0x1b: {  	s9 =	sadd.s32 $0xFFFFFEF7, lr;
	s5 =	simm.s32 $0xFFFFFFFF;
	p2 =	slt.u32 s8, $0xFFFFF086  }
0x1c: {  	p1 =	slt.u32 s9, $0xF7A;
	s5 =	simm.s32 @!p2 $0x0  }
0x1d: {  	s5 =	simm.s32 @p1 $0x1;
	p0 =	seq.s32 s7, s2  }
0x1e: {  	s7 =	smul.u32 @!p0 $0xF7A, s2;
	p2 =	seq.s32 @!p0 s5, $0x0  }
0x1f: {  	s9 =	smul.u32 $0xF7A, s1;
	s8 =	simm.s32 @!p0 $0x1BF5;
	p2 =	por !p2, p0  }
0x20: {  	[sflag:s8] =	ssyncset.s32 @!p0 $0xFFFFF086;
	s6 =	sadd.s32 @!p0 s3, s7;
	s7 =	simm.s32 @!p0 $0x108  }
0x21: {  	s3 =	sadd.s32 s3, s9;
	s6 =	sadd.s32 @!p0 $0x88, s6;
	s7 =	simm.s32 @p2 $0x1082  }
0x22: {  	[simem:s7], [sflag:s8] =	dma.local @!p0 [hbm:s6], $0xF7A  }
0x23: {  	s9 =	sor.u32 $0xD0000000, s2;
	s6 =	simm.s32 $0x108;
	_ =	swait.ge @!p0 [sflag:s8], $0x0  }
0x24: {  	s3 =	sadd.s32 $0x88, s3;
	s6 =	simm.s32 @!p1 $0x1082;
	[sflag:s4] =	ssyncset.s32 $0xFFFFF086  }
0x25: {  	[simem:s6], [sflag:s4] =	dma.local [hbm:s3], $0xF7A  }
0x26: {  	[smem:$0x3F98] =	sst s1;
	(tag) =	ssettag s2;
	_ =	strace s9  }
0x27: {  	s1 =	sld [smem:$0x3FA8]  }
0x28: {  	s2 =	sld [smem:$0x3FA9]  }
0x29: {  	s4 =	sld [smem:$0x3FAB]  }
0x2a: {  	p0 =	seq.s32 s5, $0x0;
	s5 =	sld [smem:$0x3FAC]  }
0x2b: {  	s6 =	sld [smem:$0x3FAD]  }
0x2c: {  	s7 =	sld [smem:$0x3FAE]  }
0x2d: {  	s3 =	simm.s32 $0x108;
	s8 =	sld [smem:$0x3FAF]  }
0x2e: {  	s3 =	simm.s32 @!p0 $0x1082;
	s9 =	sld [smem:$0x3FB0]  }
0x2f: {  	lr =	sadd.s32 s0, s3;
	s0 =	sld [smem:$0x3FA7]  }
0x30: {  	s3 =	sld [smem:$0x3FAA]  }
0x31: {  	[smem:$0x3FB3] =	sst s10  }
0x32: {  	s10 =	sld [smem:$0x3FB1];
	_ =	sdelay $0x3  }
0x33: {  	p0 =	seq.s32 s10, $0x1;
	s10 =	sld [smem:$0x3FB3];
	_ =	sdelay $0x3  }
0x34: {  	[smem:$0x3FB3] =	sst s10  }
0x35: {  	s10 =	sld [smem:$0x3FB2];
	_ =	sdelay $0x3  }
0x36: {  	p1 =	seq.s32 s10, $0x1;
	s10 =	sld [smem:$0x3FB3];
	_ =	sdelay $0x3  }
0x37: {  	[smem:$0x3FB3] =	sst s10  }
0x38: {  	s10 =	sld [smem:$0x3FB4]  }
0x39: {  	_ = 	snop;
	(pc) =	sbr.ind lr, $3  }
0x3a: {  	_ = 	snop  }
0x3b: {  	_ = 	snop  }
0x3c: {  	p2 =	seq.s32 s10, $0x1;
	s10 =	sld [smem:$0x3FB3]  }
0x3d: {  	_ =	shalt  }
0x3e: {  	_ =	shalt  }
0x3f: {  	_ =	shalt  }
0x40: {  	_ =	shalt  }
0x41: {  	_ =	shalt  }
0x42: {  	_ =	shalt  }
0x43: {  	_ =	shalt  }
0x44: {  	_ =	shalt  }
0x45: {  	_ =	shalt  }
0x46: {  	_ =	shalt  }
0x47: {  	_ =	shalt  }
0x48: {  	_ =	shalt  }
0x49: {  	_ =	shalt  }
0x4a: {  	_ =	shalt  }
0x4b: {  	_ =	shalt  }
0x4c: {  	_ =	shalt  }
0x4d: {  	_ =	shalt  }
0x4e: {  	_ =	shalt  }
0x4f: {  	_ =	shalt  }
0x50: {  	_ =	shalt  }
0x51: {  	_ =	shalt  }
0x52: {  	_ =	shalt  }
0x53: {  	_ =	shalt  }
0x54: {  	_ =	shalt  }
0x55: {  	_ =	shalt  }
0x56: {  	_ =	shalt  }
0x57: {  	_ =	shalt  }
0x58: {  	_ =	shalt  }
0x59: {  	_ =	shalt  }
0x5a: {  	_ =	shalt  }
0x5b: {  	_ =	shalt  }
0x5c: {  	_ =	shalt  }
0x5d: {  	_ =	shalt  }
0x5e: {  	_ =	shalt  }
0x5f: {  	_ =	shalt  }
0x60: {  	_ =	shalt  }
0x61: {  	_ =	shalt  }
0x62: {  	_ =	shalt  }
0x63: {  	_ =	shalt  }
0x64: {  	_ =	shalt  }
0x65: {  	_ =	shalt  }
0x66: {  	_ =	shalt  }
0x67: {  	_ =	shalt  }
0x68: {  	_ =	shalt  }
0x69: {  	_ =	shalt  }
0x6a: {  	_ =	shalt  }
0x6b: {  	_ =	shalt  }
0x6c: {  	_ =	shalt  }
0x6d: {  	_ =	shalt  }
0x6e: {  	_ =	shalt  }
0x6f: {  	_ =	shalt  }
0x70: {  	_ =	shalt  }
0x71: {  	_ =	shalt  }
0x72: {  	_ =	shalt  }
0x73: {  	_ =	shalt  }
0x74: {  	_ =	shalt  }
0x75: {  	_ =	shalt  }
0x76: {  	_ =	shalt  }
0x77: {  	_ =	shalt  }
0x78: {  	_ =	shalt  }
0x79: {  	_ =	shalt  }
0x7a: {  	_ =	shalt  }
0x7b: {  	_ =	shalt  }
0x7c: {  	_ =	shalt  }
0x7d: {  	_ =	shalt  }
0x7e: {  	_ =	shalt  }
0x7f: {  	_ =	shalt  }
0x80: {  	_ =	shalt  }
0x81: {  	_ =	shalt  }
0x82: {  	_ =	shalt  }
0x83: {  	_ =	shalt  }
0x84: {  	_ =	shalt  }
0x85: {  	_ =	shalt  }
0x86: {  	_ =	shalt  }
0x87: {  	_ =	shalt  }
.Lfunc_end0:
.L_simem_size_0:
called_computation.2_lowered:
.L_overlay_start_0:
0x88: {  	s2 =	sld [smem:$0x3FD9]  }
0x89: {  	s3 =	sld [smem:$0x3FFE];
	_ =	sdelay $0x1  }
0x8a: {  	s1 =	srdreg.scid  }
0x8b: {  	s0 =	sand.u32 $0x1, s1  }
0x8c: {  	s17 =	sshll.u32 s0, $0xA;
	s2 =	sadd.s32 s3, s2  }
0x8d: {  	s2 =	sadd.s32 s2, s17  }
0x8e: {  	[smem:$0x3FBF] =	sst s2  }
0x8f: {  	_ = 	snop  }
0x90: {  	s18 =	sld [smem:$0x3FD0];
	(tm) =	ssettm $0x1  }
0x91: {  	s19 =	sld [smem:$0x3FFB];
	_ =	sdelay $0x3  }
0x92: {  	_ =	strace s19  }
0x93: {  	s2 =	sld [smem:$0x3FFC];
	_ =	sdelay $0x3  }
0x94: {  	_ =	strace s2  }
0x95: {  	s2 =	sld [smem:$0x3FFD];
	_ =	sdelay $0x3  }
0x96: {  	_ =	strace s2  }
0x97: {  	_ =	strace $0x8FFFFFFF  }
0x98: {  	s20 =	sld [smem:$0x3FDB];
	_ =	sdelay $0x1  }
0x99: {  	s4 =	simm.s32 $_scs_section_size  }
0x9a: {  	s5 =	simm.s32 $_size__tile_overlayer_lowered;
	s6 =	simm.s32 $_tile_overlayer_lowered  }
0x9b: {  	s7 =	simm.s32 $0x1BFF;
	s21 =	sshll.u32 s6, $0x1;
	s4 =	sadd.s32 s4, s20  }
0x9c: {  	s22 =	simm.s32 $0x0;
	s5 =	sshll.u32 s5, $0x1;
	s6 =	sadd.s32 s21, s4  }
0x9d: {  	[timem:s22], [sflag:s7] =	dma.local [hbm:s6], s5  }
0x9e: {  	_ =	swait.ge [sflag:s7], s5  }
0x9f: {  	s5 =	ssub.s32 $0x0, s5;
	[sflag:s7] =	ssyncset.done $0x0  }
0xa0: {  	[sflag:s7] =	ssyncadd.s32 s5;
	_ =	sdelay $0x1  }
0xa1: {  	s23 =	simm.s32 $0x1B8B  }
0xa2: {  	_ =	swait.ge [sflag:s23], $0x1  }
0xa3: {  	[sflag:s23] =	ssyncset.done $0x0  }
0xa4: {  	[sflag:s23] =	ssyncadd.s32 $0xFFFFFFFF  }
0xa5: {  	s5 =	sld [smem:$0x0]  }
0xa6: {  	s6 =	sand.u32 $0xFFFFFFFE, s1  }
0xa7: {  	p0 =	sne.s32 s1, s6  }
0xa8: {  	s6 =	sshll.u32 @p0 s6, $0xE  }
0xa9: {  	s6 =	sadd.s32 @p0 $0x11B8D, s6;
	s7 =	sshll.u32 @p0 s5, $0x11  }
0xaa: {  	s6 =	sor.u32 @p0 s7, s6  }
0xab: {  	[sflag:s6] =	ssyncadd.remote.s32 @p0 $0x1;
	_ =	sdelay $0x1  }
0xac: {  	s6 =	simm.s32 @p0 $0x1B8D  }
0xad: {  	_ =	swait.eq @p0 [sflag:s6], $0x1  }
0xae: {  	[sflag:s6] =	ssyncadd.s32 @p0 $0xFFFFFFFF  }
0xaf: {  	s7 =	sshll.u32 @!p0 s1, $0xE  }
0xb0: {  	s7 =	sor.u32 @!p0 $0x4000, s7;
	s6 =	simm.s32 @!p0 $0x1B8D  }
0xb1: {  	s5 =	sshll.u32 @!p0 s5, $0x11;
	s7 =	sadd.s32 @!p0 $0x11B8D, s7;
	_ =	swait.eq @!p0 [sflag:s6], $0x1  }
0xb2: {  	s5 =	sor.u32 @!p0 s5, s7;
	[sflag:s6] =	ssyncadd.s32 @!p0 $0xFFFFFFFF  }
0xb3: {  	s25 =	simm.s32 $0x1B8E;
	s24 =	sld [smem:$0x3FFE];
	[sflag:s5] =	ssyncadd.remote.s32 @!p0 $0x1  }
0xb4: {  	s26 =	simm.s32 $execute0_lowered;
	[smem:$0x3FD2] =	sst s25  }
0xb5: {  	s6 =	sshll.u32 s26, $0x1;
	_ =	strace $0x8000004C;
	[dreg:$0x1] =	wrdreg $0xFFFFFFFF  }
0xb6: {  	s28 =	simm.s32 $_size_execute0_lowered;
	s4 =	sadd.s32 s4, s6;
	[dreg:$0x0] =	wrdreg $0x0  }
0xb7: {  	s6 =	sshll.u32 s28, $0x1;
	[dreg:$0x2] =	wrdreg s4  }
0xb8: {  	[dreg:$0x3] =	wrdreg s6  }
0xb9: {  	[dreg:$0x4] =	wrdreg $0xC0  }
0xba: {  	_ =	task [dreg:s22], $0x5FFFF  }
0xbb: {  	[dreg:$0x1] =	wrdreg $0xFFFFFFFF  }
0xbc: {  	[dreg:$0x0] =	wrdreg $0x60  }
0xbd: {  	[dreg:$0x2] =	wrdreg s18  }
0xbe: {  	[dreg:$0x3] =	wrdreg s24  }
0xbf: {  	[dreg:$0x4] =	wrdreg $0xA  }
0xc0: {  	_ =	task.clear_ibuf [dreg:s22], $0x5FFFF;
	_ =	strace $0x9000004C  }
0xc1: {  	s29 =	simm.s32 $0xA;
	_ =	strace $0x8000004E  }
0xc2: {  	_ =	swait.ge [sflag:s29], $0x1  }
0xc3: {  	[sflag:s29] =	ssyncadd.s32 $0xFFFFFFFF  }
0xc4: {  	_ =	strace $0x9000004E  }
0xc5: {  	_ =	sfence  }
0xc6: {  	s30 =	sld [smem:$0x0];
	_ =	sdelay $0x2  }
0xc7: {  	s31 =	sshll.u32 s1, $0xD;
	s1 =	sshrl.u32 s1, $0x2  }
0xc8: {  	s4 =	sand.u32 $0x4000, s31;
	s1 =	sadd.s32 s1, s30  }
0xc9: {  	s0 =	sor.u32 s4, s0;
	s1 =	sshll.u32 s1, $0x11  }
0xca: {  	s0 =	sor.u32 s1, s0  }
0xcb: {  	s0 =	sadd.s32 $0x8F2B, s0  }
0xcc: {  	[sflag:s0] =	ssyncadd.remote.s32 $0x1  }
0xcd: {  	_ =	sfence.sel $0xFFFF  }
0xce: {  	[dreg:$0x0] =	wrdreg $0xFFFFFFFF;
	(pc) =	sbr.abs _section_cstart, $3  }
0xcf: {  	[dreg:$0x1] =	wrdreg $0xFFFFFFFF  }
0xd0: {  	_ =	task.clear_ibuf [dreg:s22], $0x2FFFF;
	_ =	strace $0x9FFFFFFF  }
0xd1: {  	(tm) =	ssettm $0x7FFFFFFF  }
tec
execute0_lowered:
.L_overlay_start_1:
0x0: {  	(tag) =	ssettag $0x1  }
0x1: {  	s1 =	rddreg [dreg:$0x0]  }
0x2: {  	s3 =	rddreg [dreg:$0x1];
	s2 =	simm.s32 $0x0  }
0x3: {  	s4 =	srdreg.scid;
	s11 =	simm.s32 $0x1080;
	s12 =	simm.s32 $0x1880  }
0x4: {  	s13 =	simm.s32 $0x2080;
	s14 =	simm.s32 $0x2880;
	s15 =	simm.s32 $0x3080  }
0x5: {  	s16 =	simm.s32 $0x3880;
	s17 =	simm.s32 $0x4080;
	s18 =	simm.s32 $0x4880  }
0x6: {  	s19 =	simm.s32 $0x5080;
	s20 =	simm.s32 $0x5880;
	s21 =	simm.s32 $0x6080  }
0x7: {  	s22 =	simm.s32 $0x6880;
	s23 =	simm.s32 $0x7080;
	s24 =	simm.s32 $0x7880  }
0x8: {  	s25 =	simm.s32 $0x1;
	s26 =	simm.s32 $0x2;
	[smem:$0x7FF] =	sst s2  }
0x9: {  	s28 =	simm.s32 $0x0;
	s4 =	sand.u32 $0x1, s4;
	_ =	strace $0x8000004D  }
0xa: {  	s5 =	sshll.u32 s4, $0x8;
	s6 =	sshll.u32 s4, $0x10;
	s7 =	ssub.s32 $0x2, s4  }
0xb: {  	s10 =	sshll.u32 s4, $0x4;
	s5 =	sadd.s32 s5, s3;
	s6 =	sadd.s32 s6, s3  }
.Ltmp0:
0xc: {  	s3 =	stileid.u32;
	s8 =	sshrl.u32 s7, $0x1;
	(pc) =	sbr.rel .LBB2_1-.Ltmp0, $4  }
0xd: {  	s7 =	ssub.s32 s7, s8;
	s31 =	sshll.u32 s3, $0x4;
	s9 =	sshll.u32 s3, $0xC  }
0xe: {  	v2 =	vlaneseq.u32;
	s8 =	simm.s32 $0x3;
	s5 =	sadd.s32 s31, s5;
	s6 =	sadd.s32 s9, s6  }
0xf: {  	vm0 =	vmmov $0xffff;
	v1 =	vshrl.u32 v2, $0x3;
	s4 =	smax.u32 s7, $0x1;
	s7 =	sor.u32 s10, s3;
	s9 =	simm.s32 $0x80  }
0x10: {  	v0 =	vand.u32 $0x7, v2;
	v2 =	vor.u32 $0x8, v2;
	v1 =	vmul.u32 $0x8, v1;
	s10 =	simm.s32 $0x880;
	s5 =	sadd.s32 $0xD000, s5;
	s6 =	sadd.s32 $0x542200, s6  }
.LBB2_5:
0x11: {  	s28 =	sadd.s32 $0x1, s28  }
0x12: {  	p0 =	sne.s32 s28, s4  }
.Ltmp1:
0x13: {  	_ = 	snop;
	(pc) =	sbr.rel @!p0 .LBB2_6-.Ltmp1, $1  }
0x14: {  	_ =	sdelay $0x3  }
.LBB2_1:
.Ltmp2:
0x15: {  	(pc) =	sbr.rel .LBB2_2-.Ltmp2, $2  }
0x16: {  	_ =	sdelay $0x2  }
0x17: {  	s29 =	smov.u32 s6;
	s30 =	smov.u32 s5;
	s31 =	simm.s32 $0x0  }
.LBB2_4:
0x18: {  	s31 =	sadd.s32 $0x20, s31  }
0x19: {  	p0 =	sne.s32 s31, $0x500  }
.Ltmp3:
0x1a: {  	_ = 	snop;
	(pc) =	sbr.rel @!p0 .LBB2_5-.Ltmp3, $2  }
0x1b: {  	_ =	sdelay $0x2  }
0x1c: {  	s30 =	sadd.s32 $0x200, s30;
	s29 =	sadd.s32 $0x20000, s29  }
.LBB2_2:
0x1d: {  	s0 =	sadd.s32 s31, s7  }
0x1e: {  	p0 =	sgt.u32 s0, $0x4E1  }
.Ltmp4:
0x1f: {  	_ = 	snop;
	(pc) =	sbr.rel @p0 .LBB2_4-.Ltmp4, $1  }
0x20: {  	_ =	sdelay $0x3  }
0x21: {  	[tilespmem:s2], [sflag:$0x3] =	stream.linear.gather [hbm4b:s30+s2], $0x80, $0x38;
	[tilespmem:$0x8080] =	vst v63  }
0x22: {  	_ =	swait.ge [sflag:s8], $0x80  }
0x23: {  	[sflag:s8] =	ssyncset.done $0x0  }
0x24: {  	[sflag:s8] =	ssyncadd.s32 $0xFFFFFF80  }
0x25: {  	v3 =	vld [tilespmem:$0x0];
	_ =	sdelay $0x4  }
0x26: {  	v4 =	vshll.u32 v3, $0x1  }
0x27: {  	v3 =	vand.u32 $0x7, v3;
	v4 =	vand.u32 $0xFFFFFFF0, v4  }
0x28: {  	v3 =	vor.u32 v3, v4  }
0x29: {  	v4 =	vperm.xlane v3, v0;
	_ =	sdelay $0x1  }
0x2a: {  	v3 =	vperm.xlane v3, v2;
	v4 =	vadd.s32 v1, v4;
	_ =	sdelay $0x1  }
0x2b: {  	v3 =	vadd.s32 v1, v3;
	_ =	sdelay $0x2  }
0x2c: {  	[tilespmem:s9], [sflag:$0x1] =	stream.indirect_vreg.gather [hbm4b:s1+s2], $0x80, v4, vm0, $0xb8;
	[tilespmem:$0x8080] =	vst v63  }
0x2d: {  	_ = 	snop  }
0x2e: {  	[tilespmem:s10], [sflag:$0x1] =	stream.indirect_vreg.gather [hbm4b:s1+s2], $0x80, v3, vm0, $0xb8;
	[tilespmem:$0x8080] =	vst v63  }
0x2f: {  	v3 =	vld [tilespmem:$0x10];
	_ =	sdelay $0x4  }
0x30: {  	v57 =	vshll.u32 v3, $0x1  }
0x31: {  	v3 =	vand.u32 $0x7, v3;
	v4 =	vand.u32 $0xFFFFFFF0, v57  }
0x32: {  	v3 =	vor.u32 v3, v4  }
0x33: {  	v4 =	vperm.xlane v3, v0;
	_ =	sdelay $0x1  }
0x34: {  	v3 =	vperm.xlane v3, v2;
	v4 =	vadd.s32 v1, v4;
	_ =	sdelay $0x1  }
0x35: {  	v3 =	vadd.s32 v1, v3;
	_ =	sdelay $0x2  }
0x36: {  	[tilespmem:s11], [sflag:$0x1] =	stream.indirect_vreg.gather [hbm4b:s1+s2], $0x80, v4, vm0, $0xb8;
	[tilespmem:$0x8080] =	vst v63  }
0x37: {  	_ = 	snop  }
0x38: {  	[tilespmem:s12], [sflag:$0x1] =	stream.indirect_vreg.gather [hbm4b:s1+s2], $0x80, v3, vm0, $0xb8;
	[tilespmem:$0x8080] =	vst v63  }
0x39: {  	v3 =	vld [tilespmem:$0x20];
	_ =	sdelay $0x4  }
0x3a: {  	v58 =	vshll.u32 v3, $0x1  }
0x3b: {  	v3 =	vand.u32 $0x7, v3;
	v4 =	vand.u32 $0xFFFFFFF0, v58  }
0x3c: {  	v3 =	vor.u32 v3, v4  }
0x3d: {  	v4 =	vperm.xlane v3, v0;
	_ =	sdelay $0x1  }
0x3e: {  	v3 =	vperm.xlane v3, v2;
	v4 =	vadd.s32 v1, v4;
	_ =	sdelay $0x1  }
0x3f: {  	v3 =	vadd.s32 v1, v3;
	_ =	sdelay $0x2  }
0x40: {  	[tilespmem:s13], [sflag:$0x1] =	stream.indirect_vreg.gather [hbm4b:s1+s2], $0x80, v4, vm0, $0xb8;
	[tilespmem:$0x8080] =	vst v63  }
0x41: {  	_ = 	snop  }
0x42: {  	[tilespmem:s14], [sflag:$0x1] =	stream.indirect_vreg.gather [hbm4b:s1+s2], $0x80, v3, vm0, $0xb8;
	[tilespmem:$0x8080] =	vst v63  }
0x43: {  	v3 =	vld [tilespmem:$0x30];
	_ =	sdelay $0x4  }
0x44: {  	v59 =	vshll.u32 v3, $0x1  }
0x45: {  	v3 =	vand.u32 $0x7, v3;
	v4 =	vand.u32 $0xFFFFFFF0, v59  }
0x46: {  	v3 =	vor.u32 v3, v4  }
0x47: {  	v4 =	vperm.xlane v3, v0;
	_ =	sdelay $0x1  }
0x48: {  	v3 =	vperm.xlane v3, v2;
	v4 =	vadd.s32 v1, v4;
	_ =	sdelay $0x1  }
0x49: {  	v3 =	vadd.s32 v1, v3;
	_ =	sdelay $0x2  }
0x4a: {  	[tilespmem:s15], [sflag:$0x1] =	stream.indirect_vreg.gather [hbm4b:s1+s2], $0x80, v4, vm0, $0xb8;
	[tilespmem:$0x8080] =	vst v63  }
0x4b: {  	_ = 	snop  }
0x4c: {  	[tilespmem:s16], [sflag:$0x1] =	stream.indirect_vreg.gather [hbm4b:s1+s2], $0x80, v3, vm0, $0xb8;
	[tilespmem:$0x8080] =	vst v63  }
0x4d: {  	v3 =	vld [tilespmem:$0x40];
	_ =	sdelay $0x4  }
0x4e: {  	v60 =	vshll.u32 v3, $0x1  }
0x4f: {  	v3 =	vand.u32 $0x7, v3;
	v4 =	vand.u32 $0xFFFFFFF0, v60  }
0x50: {  	v3 =	vor.u32 v3, v4  }
0x51: {  	v4 =	vperm.xlane v3, v0;
	_ =	sdelay $0x1  }
0x52: {  	v3 =	vperm.xlane v3, v2;
	v4 =	vadd.s32 v1, v4;
	_ =	sdelay $0x1  }
0x53: {  	v3 =	vadd.s32 v1, v3;
	_ =	sdelay $0x2  }
0x54: {  	[tilespmem:s17], [sflag:$0x1] =	stream.indirect_vreg.gather [hbm4b:s1+s2], $0x80, v4, vm0, $0xb8;
	[tilespmem:$0x8080] =	vst v63  }
0x55: {  	_ = 	snop  }
0x56: {  	[tilespmem:s18], [sflag:$0x1] =	stream.indirect_vreg.gather [hbm4b:s1+s2], $0x80, v3, vm0, $0xb8;
	[tilespmem:$0x8080] =	vst v63  }
0x57: {  	v3 =	vld [tilespmem:$0x50];
	_ =	sdelay $0x4  }
0x58: {  	v61 =	vshll.u32 v3, $0x1  }
0x59: {  	v3 =	vand.u32 $0x7, v3;
	v4 =	vand.u32 $0xFFFFFFF0, v61  }
0x5a: {  	v3 =	vor.u32 v3, v4  }
0x5b: {  	v4 =	vperm.xlane v3, v0;
	_ =	sdelay $0x1  }
0x5c: {  	v3 =	vperm.xlane v3, v2;
	v4 =	vadd.s32 v1, v4;
	_ =	sdelay $0x1  }
0x5d: {  	v3 =	vadd.s32 v1, v3;
	_ =	sdelay $0x2  }
0x5e: {  	[tilespmem:s19], [sflag:$0x1] =	stream.indirect_vreg.gather [hbm4b:s1+s2], $0x80, v4, vm0, $0xb8;
	[tilespmem:$0x8080] =	vst v63  }
0x5f: {  	_ = 	snop  }
0x60: {  	[tilespmem:s20], [sflag:$0x1] =	stream.indirect_vreg.gather [hbm4b:s1+s2], $0x80, v3, vm0, $0xb8;
	[tilespmem:$0x8080] =	vst v63  }
0x61: {  	v3 =	vld [tilespmem:$0x60];
	_ =	sdelay $0x4  }
0x62: {  	v62 =	vshll.u32 v3, $0x1  }
0x63: {  	v3 =	vand.u32 $0x7, v3;
	v4 =	vand.u32 $0xFFFFFFF0, v62  }
0x64: {  	v3 =	vor.u32 v3, v4  }
0x65: {  	v4 =	vperm.xlane v3, v0;
	_ =	sdelay $0x1  }
0x66: {  	v3 =	vperm.xlane v3, v2;
	v4 =	vadd.s32 v1, v4;
	_ =	sdelay $0x1  }
0x67: {  	v3 =	vadd.s32 v1, v3;
	_ =	sdelay $0x2  }
0x68: {  	[tilespmem:s21], [sflag:$0x1] =	stream.indirect_vreg.gather [hbm4b:s1+s2], $0x80, v4, vm0, $0xb8;
	[tilespmem:$0x8080] =	vst v63  }
0x69: {  	_ = 	snop  }
0x6a: {  	[tilespmem:s22], [sflag:$0x1] =	stream.indirect_vreg.gather [hbm4b:s1+s2], $0x80, v3, vm0, $0xb8;
	[tilespmem:$0x8080] =	vst v63  }
0x6b: {  	v3 =	vld [tilespmem:$0x70];
	_ =	sdelay $0x4  }
0x6c: {  	v63 =	vshll.u32 v3, $0x1  }
0x6d: {  	v3 =	vand.u32 $0x7, v3;
	v4 =	vand.u32 $0xFFFFFFF0, v63  }
0x6e: {  	v3 =	vor.u32 v3, v4  }
0x6f: {  	v4 =	vperm.xlane v3, v0;
	_ =	sdelay $0x1  }
0x70: {  	v3 =	vperm.xlane v3, v2;
	v4 =	vadd.s32 v1, v4;
	_ =	sdelay $0x1  }
0x71: {  	v3 =	vadd.s32 v1, v3;
	_ =	sdelay $0x2  }
0x72: {  	[tilespmem:s23], [sflag:$0x1] =	stream.indirect_vreg.gather [hbm4b:s1+s2], $0x80, v4, vm0, $0xb8;
	[tilespmem:$0x8080] =	vst v63  }
0x73: {  	_ = 	snop  }
0x74: {  	[tilespmem:s24], [sflag:$0x1] =	stream.indirect_vreg.gather [hbm4b:s1+s2], $0x80, v3, vm0, $0xb8;
	[tilespmem:$0x8080] =	vst v63  }
0x75: {  	_ =	swait.ge [sflag:s25], $0x8000  }
0x76: {  	[sflag:s25] =	ssyncset.done $0x0  }
.Ltmp5:
0x77: {  	[sflag:s25] =	ssyncadd.s32 $0xFFFF8000;
	(pc) =	sbr.rel .LBB2_4-.Ltmp5, $4  }
0x78: {  	[hbm4b:s29+s2] =	stream.linear.scatter [tilespmem:s9], [sflag:$0x2], $0x8000, $0x38;
	[tilespmem:$0x8080] =	vst v63  }
0x79: {  	_ =	swait.ge [sflag:s26], $0x8000  }
0x7a: {  	[sflag:s26] =	ssyncset.done $0x0  }
0x7b: {  	[sflag:s26] =	ssyncadd.s32 $0xFFFF8000  }
.LBB2_6:
0x7c: {  	_ =	sfence.sel $0x180000  }
0x7d: {  	[bflag:$0x0] =	sbarrier.arrive $0xFFFF  }
0x7e: {  	_ =	strace $0x9000004D  }
0x7f: {  	[bflag:$0x2] =	sbarrier.arrive $0xFFFF  }
0x80: {  	p0 =	sne.s32 s3, $0x0;
	s0 =	rddreg [dreg:$0x2]  }
0x81: {  	s0 =	sadd.s32 @!p0 $0x100000, s0  }
0x82: {  	[sflag:s0] =	ssyncadd.tile.s32 @!p0 $0x1;
	_ =	shalt  }
.Lfunc_end2:
_tile_overlayer_lowered:
.L_overlay_start_2:
0x83: {  	(tag) =	ssettag $0x2  }
0x84: {  	s0 =	rddreg [dreg:$0x0];
	s2 =	stileid.u32  }
0x85: {  	s1 =	rddreg [dreg:$0x1];
	p0 =	sne.s32 s2, $0x0  }
0x86: {  	s3 =	rddreg [dreg:$0x2];
	[bflag:$0x3] =	sbarrier.arrive $0xFFFF;
	s2 =	simm.s32 @!p0 $0x1C02  }
0x87: {  	[timem:s3], [sflag:s2] =	dma.local @!p0 [hbm:s0], s1  }
0x88: {  	s0 =	simm.s32 @!p0 $0x2  }
0x89: {  	_ =	swait.ge @!p0 [sflag:s0], s1  }
0x8a: {  	s1 =	ssub.s32 @!p0 $0x0, s1;
	[sflag:s0] =	ssyncset.done @!p0 $0x0  }
0x8b: {  	[sflag:s0] =	ssyncadd.s32 @!p0 s1  }
0x8c: {  	[bflag:$0x3] =	sbarrier.arrive $0xFFFF  }
0x8d: {  	_ =	shalt  }

// kernel: kernel.21.cloned.1.call-start
scs
__scs_entry_jumppad:
0x0: {  	(pc) =	sbr.rel $0x88, $3  }
0x1: {  	(tag) =	ssettag $0x0;
	lr =	simm.s32 $0x1  }
0x2: {  	[smem:$0x3F98] =	sst lr;
	_ =	strace $0xD0000000  }
0x3: {  	_ = 	snop  }
0x4: {  	_ = 	snop  }
0x5: {  	_ = 	snop  }
0x6: {  	_ = 	snop  }
0x7: {  	_ = 	snop  }
__scs_overlays_trampoline_lowered:
0x8: {  	[smem:$0x3FA7] =	sst s0  }
0x9: {  	[smem:$0x3FA8] =	sst s1  }
0xa: {  	[smem:$0x3FA9] =	sst s2  }
0xb: {  	[smem:$0x3FAA] =	sst s3  }
0xc: {  	[smem:$0x3FAB] =	sst s4  }
0xd: {  	[smem:$0x3FAC] =	sst s5  }
0xe: {  	[smem:$0x3FAD] =	sst s6  }
0xf: {  	[smem:$0x3FAE] =	sst s7  }
0x10: {  	[smem:$0x3FAF] =	sst s8  }
0x11: {  	[smem:$0x3FB0] =	sst s9;
	s0 =	simm.s32 @!p0 $0x0  }
0x12: {  	s1 =	sld [smem:$0x3F96];
	s0 =	simm.s32 @p0 $0x1  }
0x13: {  	[smem:$0x3FB1] =	sst s0;
	s0 =	simm.s32 @!p1 $0x0  }
0x14: {  	s2 =	sld [smem:$0x3F95];
	s0 =	simm.s32 @p1 $0x1  }
0x15: {  	[smem:$0x3FB2] =	sst s0;
	s0 =	simm.s32 @!p2 $0x0  }
0x16: {  	s3 =	sld [smem:$0x3FDB];
	s0 =	simm.s32 @p2 $0x1  }
0x17: {  	s4 =	simm.s32 $0x1BF5;
	[smem:$0x3FB4] =	sst s0  }
0x18: {  	s0 =	sld [smem:$0x3F97];
	_ =	swait.ge [sflag:s4], $0x0  }
0x19: {  	s7 =	sld [smem:$0x3F98]  }
0x1a: {  	s8 =	sadd.s32 $0xFFFFE003, lr  }
0x1b: {  	s9 =	sadd.s32 $0xFFFFFEF7, lr;
	s5 =	simm.s32 $0xFFFFFFFF;
	p2 =	slt.u32 s8, $0xFFFFF086  }
0x1c: {  	p1 =	slt.u32 s9, $0xF7A;
	s5 =	simm.s32 @!p2 $0x0  }
0x1d: {  	s5 =	simm.s32 @p1 $0x1;
	p0 =	seq.s32 s7, s2  }
0x1e: {  	s7 =	smul.u32 @!p0 $0xF7A, s2;
	p2 =	seq.s32 @!p0 s5, $0x0  }
0x1f: {  	s9 =	smul.u32 $0xF7A, s1;
	s8 =	simm.s32 @!p0 $0x1BF5;
	p2 =	por !p2, p0  }
0x20: {  	[sflag:s8] =	ssyncset.s32 @!p0 $0xFFFFF086;
	s6 =	sadd.s32 @!p0 s3, s7;
	s7 =	simm.s32 @!p0 $0x108  }
0x21: {  	s3 =	sadd.s32 s3, s9;
	s6 =	sadd.s32 @!p0 $0x88, s6;
	s7 =	simm.s32 @p2 $0x1082  }
0x22: {  	[simem:s7], [sflag:s8] =	dma.local @!p0 [hbm:s6], $0xF7A  }
0x23: {  	s9 =	sor.u32 $0xD0000000, s2;
	s6 =	simm.s32 $0x108;
	_ =	swait.ge @!p0 [sflag:s8], $0x0  }
0x24: {  	s3 =	sadd.s32 $0x88, s3;
	s6 =	simm.s32 @!p1 $0x1082;
	[sflag:s4] =	ssyncset.s32 $0xFFFFF086  }
0x25: {  	[simem:s6], [sflag:s4] =	dma.local [hbm:s3], $0xF7A  }
0x26: {  	[smem:$0x3F98] =	sst s1;
	(tag) =	ssettag s2;
	_ =	strace s9  }
0x27: {  	s1 =	sld [smem:$0x3FA8]  }
0x28: {  	s2 =	sld [smem:$0x3FA9]  }
0x29: {  	s4 =	sld [smem:$0x3FAB]  }
0x2a: {  	p0 =	seq.s32 s5, $0x0;
	s5 =	sld [smem:$0x3FAC]  }
0x2b: {  	s6 =	sld [smem:$0x3FAD]  }
0x2c: {  	s7 =	sld [smem:$0x3FAE]  }
0x2d: {  	s3 =	simm.s32 $0x108;
	s8 =	sld [smem:$0x3FAF]  }
0x2e: {  	s3 =	simm.s32 @!p0 $0x1082;
	s9 =	sld [smem:$0x3FB0]  }
0x2f: {  	lr =	sadd.s32 s0, s3;
	s0 =	sld [smem:$0x3FA7]  }
0x30: {  	s3 =	sld [smem:$0x3FAA]  }
0x31: {  	[smem:$0x3FB3] =	sst s10  }
0x32: {  	s10 =	sld [smem:$0x3FB1];
	_ =	sdelay $0x3  }
0x33: {  	p0 =	seq.s32 s10, $0x1;
	s10 =	sld [smem:$0x3FB3];
	_ =	sdelay $0x3  }
0x34: {  	[smem:$0x3FB3] =	sst s10  }
0x35: {  	s10 =	sld [smem:$0x3FB2];
	_ =	sdelay $0x3  }
0x36: {  	p1 =	seq.s32 s10, $0x1;
	s10 =	sld [smem:$0x3FB3];
	_ =	sdelay $0x3  }
0x37: {  	[smem:$0x3FB3] =	sst s10  }
0x38: {  	s10 =	sld [smem:$0x3FB4]  }
0x39: {  	_ = 	snop;
	(pc) =	sbr.ind lr, $3  }
0x3a: {  	_ = 	snop  }
0x3b: {  	_ = 	snop  }
0x3c: {  	p2 =	seq.s32 s10, $0x1;
	s10 =	sld [smem:$0x3FB3]  }
0x3d: {  	_ =	shalt  }
0x3e: {  	_ =	shalt  }
0x3f: {  	_ =	shalt  }
0x40: {  	_ =	shalt  }
0x41: {  	_ =	shalt  }
0x42: {  	_ =	shalt  }
0x43: {  	_ =	shalt  }
0x44: {  	_ =	shalt  }
0x45: {  	_ =	shalt  }
0x46: {  	_ =	shalt  }
0x47: {  	_ =	shalt  }
0x48: {  	_ =	shalt  }
0x49: {  	_ =	shalt  }
0x4a: {  	_ =	shalt  }
0x4b: {  	_ =	shalt  }
0x4c: {  	_ =	shalt  }
0x4d: {  	_ =	shalt  }
0x4e: {  	_ =	shalt  }
0x4f: {  	_ =	shalt  }
0x50: {  	_ =	shalt  }
0x51: {  	_ =	shalt  }
0x52: {  	_ =	shalt  }
0x53: {  	_ =	shalt  }
0x54: {  	_ =	shalt  }
0x55: {  	_ =	shalt  }
0x56: {  	_ =	shalt  }
0x57: {  	_ =	shalt  }
0x58: {  	_ =	shalt  }
0x59: {  	_ =	shalt  }
0x5a: {  	_ =	shalt  }
0x5b: {  	_ =	shalt  }
0x5c: {  	_ =	shalt  }
0x5d: {  	_ =	shalt  }
0x5e: {  	_ =	shalt  }
0x5f: {  	_ =	shalt  }
0x60: {  	_ =	shalt  }
0x61: {  	_ =	shalt  }
0x62: {  	_ =	shalt  }
0x63: {  	_ =	shalt  }
0x64: {  	_ =	shalt  }
0x65: {  	_ =	shalt  }
0x66: {  	_ =	shalt  }
0x67: {  	_ =	shalt  }
0x68: {  	_ =	shalt  }
0x69: {  	_ =	shalt  }
0x6a: {  	_ =	shalt  }
0x6b: {  	_ =	shalt  }
0x6c: {  	_ =	shalt  }
0x6d: {  	_ =	shalt  }
0x6e: {  	_ =	shalt  }
0x6f: {  	_ =	shalt  }
0x70: {  	_ =	shalt  }
0x71: {  	_ =	shalt  }
0x72: {  	_ =	shalt  }
0x73: {  	_ =	shalt  }
0x74: {  	_ =	shalt  }
0x75: {  	_ =	shalt  }
0x76: {  	_ =	shalt  }
0x77: {  	_ =	shalt  }
0x78: {  	_ =	shalt  }
0x79: {  	_ =	shalt  }
0x7a: {  	_ =	shalt  }
0x7b: {  	_ =	shalt  }
0x7c: {  	_ =	shalt  }
0x7d: {  	_ =	shalt  }
0x7e: {  	_ =	shalt  }
0x7f: {  	_ =	shalt  }
0x80: {  	_ =	shalt  }
0x81: {  	_ =	shalt  }
0x82: {  	_ =	shalt  }
0x83: {  	_ =	shalt  }
0x84: {  	_ =	shalt  }
0x85: {  	_ =	shalt  }
0x86: {  	_ =	shalt  }
0x87: {  	_ =	shalt  }
.Lfunc_end0:
.L_simem_size_0:
called_computation.3_lowered:
.L_overlay_start_0:
0x88: {  	s2 =	sld [smem:$0x3FD9]  }
0x89: {  	s3 =	sld [smem:$0x3FFE];
	_ =	sdelay $0x1  }
0x8a: {  	s1 =	srdreg.scid  }
0x8b: {  	s0 =	sand.u32 $0x1, s1  }
0x8c: {  	s17 =	sshll.u32 s0, $0xA;
	s2 =	sadd.s32 s3, s2  }
0x8d: {  	s2 =	sadd.s32 s2, s17  }
0x8e: {  	[smem:$0x3FBF] =	sst s2  }
0x8f: {  	_ = 	snop  }
0x90: {  	s2 =	sld [smem:$0x3FD0];
	(tm) =	ssettm $0x1  }
0x91: {  	s18 =	sld [smem:$0x3FFB];
	_ =	sdelay $0x3  }
0x92: {  	_ =	strace s18  }
0x93: {  	s3 =	sld [smem:$0x3FFC];
	_ =	sdelay $0x3  }
0x94: {  	_ =	strace s3  }
0x95: {  	s3 =	sld [smem:$0x3FFD];
	_ =	sdelay $0x3  }
0x96: {  	_ =	strace s3  }
0x97: {  	_ =	strace $0x8FFFFFFF  }
0x98: {  	s19 =	sld [smem:$0x3FDB];
	_ =	sdelay $0x1  }
0x99: {  	s4 =	simm.s32 $_scs_section_size  }
0x9a: {  	s5 =	simm.s32 $_size__tile_overlayer_lowered;
	s6 =	simm.s32 $_tile_overlayer_lowered  }
0x9b: {  	s22 =	simm.s32 $0x1BFF;
	s21 =	sshll.u32 s6, $0x1;
	s3 =	sadd.s32 s4, s19  }
0x9c: {  	s7 =	simm.s32 $0x0;
	s20 =	sshll.u32 s5, $0x1;
	s5 =	sadd.s32 s21, s3  }
0x9d: {  	[timem:s7], [sflag:s22] =	dma.local [hbm:s5], s20  }
0x9e: {  	_ =	swait.ge [sflag:s22], s20  }
0x9f: {  	s4 =	ssub.s32 $0x0, s20;
	[sflag:s22] =	ssyncset.done $0x0  }
0xa0: {  	[sflag:s22] =	ssyncadd.s32 s4;
	_ =	sdelay $0x1  }
0xa1: {  	s23 =	simm.s32 $0x1B8B  }
0xa2: {  	_ =	swait.ge [sflag:s23], $0x1  }
0xa3: {  	[sflag:s23] =	ssyncset.done $0x0  }
0xa4: {  	s25 =	simm.s32 $0x1B8E;
	s24 =	sld [smem:$0x3FFE];
	[sflag:s23] =	ssyncadd.s32 $0xFFFFFFFF  }
0xa5: {  	s26 =	simm.s32 $execute0_lowered;
	[smem:$0x3FD2] =	sst s25  }
0xa6: {  	s5 =	sshll.u32 s26, $0x1;
	_ =	strace $0x8000004F;
	[dreg:$0x1] =	wrdreg $0xFFFFFFFF  }
0xa7: {  	s28 =	simm.s32 $_size_execute0_lowered;
	s3 =	sadd.s32 s3, s5;
	[dreg:$0x0] =	wrdreg $0x0  }
0xa8: {  	s5 =	sshll.u32 s28, $0x1;
	[dreg:$0x2] =	wrdreg s3  }
0xa9: {  	[dreg:$0x3] =	wrdreg s5  }
0xaa: {  	[dreg:$0x4] =	wrdreg $0xC0  }
0xab: {  	_ =	task [dreg:s7], $0x5FFFF  }
0xac: {  	[dreg:$0x1] =	wrdreg $0xFFFFFFFF  }
0xad: {  	[dreg:$0x0] =	wrdreg $0x60  }
0xae: {  	[dreg:$0x2] =	wrdreg s24  }
0xaf: {  	[dreg:$0x3] =	wrdreg s2  }
0xb0: {  	[dreg:$0x4] =	wrdreg $0x9  }
0xb1: {  	_ =	task.clear_ibuf [dreg:s7], $0x5FFFF;
	_ =	strace $0x9000004F  }
0xb2: {  	s29 =	simm.s32 $0x9;
	_ =	strace $0x80000051  }
0xb3: {  	_ =	swait.ge [sflag:s29], $0x1  }
0xb4: {  	[sflag:s29] =	ssyncadd.s32 $0xFFFFFFFF  }
0xb5: {  	_ =	strace $0x90000051  }
0xb6: {  	_ =	sfence  }
0xb7: {  	s30 =	sld [smem:$0x0];
	_ =	sdelay $0x2  }
0xb8: {  	s31 =	sshll.u32 s1, $0xD;
	s1 =	sshrl.u32 s1, $0x2  }
0xb9: {  	s3 =	sand.u32 $0x4000, s31;
	s1 =	sadd.s32 s1, s30  }
0xba: {  	s0 =	sor.u32 s3, s0;
	s1 =	sshll.u32 s1, $0x11  }
0xbb: {  	s0 =	sor.u32 s1, s0  }
0xbc: {  	s0 =	sadd.s32 $0x8F2B, s0  }
0xbd: {  	[sflag:s0] =	ssyncadd.remote.s32 $0x1  }
0xbe: {  	_ =	sfence.sel $0xFFFF  }
0xbf: {  	[dreg:$0x0] =	wrdreg $0xFFFFFFFF;
	(pc) =	sbr.abs _section_cstart, $3  }
0xc0: {  	[dreg:$0x1] =	wrdreg $0xFFFFFFFF  }
0xc1: {  	_ =	task.clear_ibuf [dreg:s7], $0x2FFFF;
	_ =	strace $0x9FFFFFFF  }
0xc2: {  	(tm) =	ssettm $0x7FFFFFFF  }
0xc3: {  	_ =	shalt  }
tec
execute0_lowered:
.L_overlay_start_1:
0x0: {  	(tag) =	ssettag $0x1  }
0x1: {  	s4 =	rddreg [dreg:$0x0]  }
0x2: {  	s6 =	rddreg [dreg:$0x1];
	s2 =	srdreg.scid  }
0x3: {  	s1 =	stileid.u32;
	s12 =	simm.s32 $0x1080;
	s13 =	simm.s32 $0x1880  }
0x4: {  	s14 =	simm.s32 $0x2080;
	s15 =	simm.s32 $0x2880;
	s16 =	simm.s32 $0x3080  }
0x5: {  	s17 =	simm.s32 $0x3880;
	s18 =	simm.s32 $0x4080;
	s19 =	simm.s32 $0x4880  }
0x6: {  	s20 =	simm.s32 $0x5080;
	s21 =	simm.s32 $0x5880;
	s22 =	simm.s32 $0x6080  }
0x7: {  	s23 =	simm.s32 $0x6880;
	s24 =	simm.s32 $0x7080;
	s25 =	simm.s32 $0x7880  }
0x8: {  	s26 =	simm.s32 $0x1;
	s28 =	simm.s32 $0x8080;
	s29 =	simm.s32 $0x0  }
0x9: {  	s5 =	sand.u32 $0x1, s2;
	s2 =	simm.s32 $0x0;
	s7 =	sshll.u32 s1, $0x9  }
0xa: {  	s10 =	sadd.s32 $0x3200, s4;
	s31 =	sshll.u32 s1, $0xE;
	s3 =	sshll.u32 s5, $0xD  }
0xb: {  	[smem:$0x7FF] =	sst s2;
	s9 =	ssub.s32 $0x2, s5;
	s5 =	sshll.u32 s5, $0x12  }
0xc: {  	s3 =	sor.u32 s7, s3;
	_ =	strace $0x80000050;
	s11 =	sshrl.u32 s9, $0x1  }
0xd: {  	s5 =	sadd.s32 s5, s4;
	[dreg:$0x3] =	wrdreg s10;
	s10 =	simm.s32 $0x80  }
0xe: {  	s7 =	sshrl.u32 s3, $0x3;
	s3 =	sadd.s32 $0x9000, s4;
	s30 =	ssub.s32 s9, s11  }
0xf: {  	v2 =	vlaneseq.u32;
	s5 =	sadd.s32 s31, s5;
	s9 =	simm.s32 $0x2;
	s11 =	simm.s32 $0x880  }
0x10: {  	vm0 =	vmmov $0xffff;
	v1 =	vshrl.u32 v2, $0x3;
	s8 =	sadd.s32 s7, s4;
	s4 =	smax.u32 s30, $0x1;
	s5 =	sadd.s32 $0xA5400, s5  }
0x11: {  	v0 =	vand.u32 $0x7, v2;
	v2 =	vor.u32 $0x8, v2;
	v1 =	vmul.u32 $0x8, v1;
	s6 =	sadd.s32 s7, s6;
	s7 =	sadd.s32 $0x8000, s8;
	s8 =	sadd.s32 $0x8800, s8  }
.LBB2_1:
0x12: {  	s30 =	smov.u32 s5;
	s31 =	simm.s32 $0x0  }
.LBB2_2:
0x13: {  	s0 =	sadd.s32 s31, s8  }
0x14: {  	[tilespmem:s2], [sflag:$0x2] =	stream.linear.gather [hbm4b:s0+s2], $0x80, $0x38;
	[tilespmem:$0x8100] =	vst v63  }
0x15: {  	_ =	swait.ge [sflag:s9], $0x80  }
0x16: {  	[sflag:s9] =	ssyncset.done $0x0  }
0x17: {  	[sflag:s9] =	ssyncadd.s32 $0xFFFFFF80  }
0x18: {  	v3 =	vld [tilespmem:$0x0];
	_ =	sdelay $0x4  }
0x19: {  	v4 =	vshll.u32 v3, $0x1  }
0x1a: {  	v3 =	vand.u32 $0x7, v3;
	v4 =	vand.u32 $0xFFFFFFF0, v4  }
0x1b: {  	v3 =	vor.u32 v3, v4  }
0x1c: {  	v4 =	vperm.xlane v3, v0;
	_ =	sdelay $0x1  }
0x1d: {  	v3 =	vperm.xlane v3, v2;
	v4 =	vadd.s32 v1, v4;
	_ =	sdelay $0x1  }
0x1e: {  	v3 =	vadd.s32 v1, v3;
	_ =	sdelay $0x2  }
0x1f: {  	[tilespmem:s10], [sflag:$0x1] =	stream.indirect_vreg.gather [hbm4b:s3+s2], $0x80, v4, vm0, $0xb8;
	[tilespmem:$0x8100] =	vst v63  }
0x20: {  	_ = 	snop  }
0x21: {  	[tilespmem:s11], [sflag:$0x1] =	stream.indirect_vreg.gather [hbm4b:s3+s2], $0x80, v3, vm0, $0xb8;
	[tilespmem:$0x8100] =	vst v63  }
0x22: {  	v3 =	vld [tilespmem:$0x10];
	_ =	sdelay $0x4  }
0x23: {  	v57 =	vshll.u32 v3, $0x1  }
0x24: {  	v3 =	vand.u32 $0x7, v3;
	v4 =	vand.u32 $0xFFFFFFF0, v57  }
0x25: {  	v3 =	vor.u32 v3, v4  }
0x26: {  	v4 =	vperm.xlane v3, v0;
	_ =	sdelay $0x1  }
0x27: {  	v3 =	vperm.xlane v3, v2;
	v4 =	vadd.s32 v1, v4;
	_ =	sdelay $0x1  }
0x28: {  	v3 =	vadd.s32 v1, v3;
	_ =	sdelay $0x2  }
0x29: {  	[tilespmem:s12], [sflag:$0x1] =	stream.indirect_vreg.gather [hbm4b:s3+s2], $0x80, v4, vm0, $0xb8;
	[tilespmem:$0x8100] =	vst v63  }
0x2a: {  	_ = 	snop  }
0x2b: {  	[tilespmem:s13], [sflag:$0x1] =	stream.indirect_vreg.gather [hbm4b:s3+s2], $0x80, v3, vm0, $0xb8;
	[tilespmem:$0x8100] =	vst v63  }
0x2c: {  	v3 =	vld [tilespmem:$0x20];
	_ =	sdelay $0x4  }
0x2d: {  	v58 =	vshll.u32 v3, $0x1  }
0x2e: {  	v3 =	vand.u32 $0x7, v3;
	v4 =	vand.u32 $0xFFFFFFF0, v58  }
0x2f: {  	v3 =	vor.u32 v3, v4  }
0x30: {  	v4 =	vperm.xlane v3, v0;
	_ =	sdelay $0x1  }
0x31: {  	v3 =	vperm.xlane v3, v2;
	v4 =	vadd.s32 v1, v4;
	_ =	sdelay $0x1  }
0x32: {  	v3 =	vadd.s32 v1, v3;
	_ =	sdelay $0x2  }
0x33: {  	[tilespmem:s14], [sflag:$0x1] =	stream.indirect_vreg.gather [hbm4b:s3+s2], $0x80, v4, vm0, $0xb8;
	[tilespmem:$0x8100] =	vst v63  }
0x34: {  	_ = 	snop  }
0x35: {  	[tilespmem:s15], [sflag:$0x1] =	stream.indirect_vreg.gather [hbm4b:s3+s2], $0x80, v3, vm0, $0xb8;
	[tilespmem:$0x8100] =	vst v63  }
0x36: {  	v3 =	vld [tilespmem:$0x30];
	_ =	sdelay $0x4  }
0x37: {  	v59 =	vshll.u32 v3, $0x1  }
0x38: {  	v3 =	vand.u32 $0x7, v3;
	v4 =	vand.u32 $0xFFFFFFF0, v59  }
0x39: {  	v3 =	vor.u32 v3, v4  }
0x3a: {  	v4 =	vperm.xlane v3, v0;
	_ =	sdelay $0x1  }
0x3b: {  	v3 =	vperm.xlane v3, v2;
	v4 =	vadd.s32 v1, v4;
	_ =	sdelay $0x1  }
0x3c: {  	v3 =	vadd.s32 v1, v3;
	_ =	sdelay $0x2  }
0x3d: {  	[tilespmem:s16], [sflag:$0x1] =	stream.indirect_vreg.gather [hbm4b:s3+s2], $0x80, v4, vm0, $0xb8;
	[tilespmem:$0x8100] =	vst v63  }
0x3e: {  	_ = 	snop  }
0x3f: {  	[tilespmem:s17], [sflag:$0x1] =	stream.indirect_vreg.gather [hbm4b:s3+s2], $0x80, v3, vm0, $0xb8;
	[tilespmem:$0x8100] =	vst v63  }
0x40: {  	v3 =	vld [tilespmem:$0x40];
	_ =	sdelay $0x4  }
0x41: {  	v60 =	vshll.u32 v3, $0x1  }
0x42: {  	v3 =	vand.u32 $0x7, v3;
	v4 =	vand.u32 $0xFFFFFFF0, v60  }
0x43: {  	v3 =	vor.u32 v3, v4  }
0x44: {  	v4 =	vperm.xlane v3, v0;
	_ =	sdelay $0x1  }
0x45: {  	v3 =	vperm.xlane v3, v2;
	v4 =	vadd.s32 v1, v4;
	_ =	sdelay $0x1  }
0x46: {  	v3 =	vadd.s32 v1, v3;
	_ =	sdelay $0x2  }
0x47: {  	[tilespmem:s18], [sflag:$0x1] =	stream.indirect_vreg.gather [hbm4b:s3+s2], $0x80, v4, vm0, $0xb8;
	[tilespmem:$0x8100] =	vst v63  }
0x48: {  	_ = 	snop  }
0x49: {  	[tilespmem:s19], [sflag:$0x1] =	stream.indirect_vreg.gather [hbm4b:s3+s2], $0x80, v3, vm0, $0xb8;
	[tilespmem:$0x8100] =	vst v63  }
0x4a: {  	v3 =	vld [tilespmem:$0x50];
	_ =	sdelay $0x4  }
0x4b: {  	v61 =	vshll.u32 v3, $0x1  }
0x4c: {  	v3 =	vand.u32 $0x7, v3;
	v4 =	vand.u32 $0xFFFFFFF0, v61  }
0x4d: {  	v3 =	vor.u32 v3, v4  }
0x4e: {  	v4 =	vperm.xlane v3, v0;
	_ =	sdelay $0x1  }
0x4f: {  	v3 =	vperm.xlane v3, v2;
	v4 =	vadd.s32 v1, v4;
	_ =	sdelay $0x1  }
0x50: {  	v3 =	vadd.s32 v1, v3;
	_ =	sdelay $0x2  }
0x51: {  	[tilespmem:s20], [sflag:$0x1] =	stream.indirect_vreg.gather [hbm4b:s3+s2], $0x80, v4, vm0, $0xb8;
	[tilespmem:$0x8100] =	vst v63  }
0x52: {  	_ = 	snop  }
0x53: {  	[tilespmem:s21], [sflag:$0x1] =	stream.indirect_vreg.gather [hbm4b:s3+s2], $0x80, v3, vm0, $0xb8;
	[tilespmem:$0x8100] =	vst v63  }
0x54: {  	v3 =	vld [tilespmem:$0x60];
	_ =	sdelay $0x4  }
0x55: {  	v62 =	vshll.u32 v3, $0x1  }
0x56: {  	v3 =	vand.u32 $0x7, v3;
	v4 =	vand.u32 $0xFFFFFFF0, v62  }
0x57: {  	v3 =	vor.u32 v3, v4  }
0x58: {  	v4 =	vperm.xlane v3, v0;
	_ =	sdelay $0x1  }
0x59: {  	v3 =	vperm.xlane v3, v2;
	v4 =	vadd.s32 v1, v4;
	_ =	sdelay $0x1  }
0x5a: {  	v3 =	vadd.s32 v1, v3;
	_ =	sdelay $0x2  }
0x5b: {  	[tilespmem:s22], [sflag:$0x1] =	stream.indirect_vreg.gather [hbm4b:s3+s2], $0x80, v4, vm0, $0xb8;
	[tilespmem:$0x8100] =	vst v63  }
0x5c: {  	_ = 	snop  }
0x5d: {  	[tilespmem:s23], [sflag:$0x1] =	stream.indirect_vreg.gather [hbm4b:s3+s2], $0x80, v3, vm0, $0xb8;
	[tilespmem:$0x8100] =	vst v63  }
0x5e: {  	v3 =	vld [tilespmem:$0x70];
	_ =	sdelay $0x4  }
0x5f: {  	v63 =	vshll.u32 v3, $0x1  }
0x60: {  	v3 =	vand.u32 $0x7, v3;
	v4 =	vand.u32 $0xFFFFFFF0, v63  }
0x61: {  	v3 =	vor.u32 v3, v4  }
0x62: {  	v4 =	vperm.xlane v3, v0;
	_ =	sdelay $0x1  }
0x63: {  	v3 =	vperm.xlane v3, v2;
	v4 =	vadd.s32 v1, v4;
	_ =	sdelay $0x1  }
0x64: {  	v3 =	vadd.s32 v1, v3;
	_ =	sdelay $0x2  }
0x65: {  	[tilespmem:s24], [sflag:$0x1] =	stream.indirect_vreg.gather [hbm4b:s3+s2], $0x80, v4, vm0, $0xb8;
	[tilespmem:$0x8100] =	vst v63  }
0x66: {  	_ = 	snop  }
0x67: {  	[tilespmem:s25], [sflag:$0x1] =	stream.indirect_vreg.gather [hbm4b:s3+s2], $0x80, v3, vm0, $0xb8;
	[tilespmem:$0x8100] =	vst v63  }
0x68: {  	_ =	swait.ge [sflag:s26], $0x8000  }
0x69: {  	[sflag:s26] =	ssyncset.done $0x0  }
0x6a: {  	[sflag:s26] =	ssyncadd.s32 $0xFFFF8000  }
0x6b: {  	[hbm4b:s30+s2] =	stream.linear.scatter [tilespmem:s10], [sflag:$0x2], $0x8000, $0x38;
	[tilespmem:$0x8100] =	vst v63  }
0x6c: {  	_ =	swait.ge [sflag:s9], $0x8000  }
0x6d: {  	[sflag:s9] =	ssyncset.done $0x0  }
0x6e: {  	s0 =	sadd.s32 s31, s7;
	[sflag:s9] =	ssyncadd.s32 $0xFFFF8000  }
0x6f: {  	[tilespmem:s2], [sflag:$0x2] =	stream.linear.gather [hbm4b:s0+s2], $0x80, $0x38;
	[tilespmem:$0x8100] =	vst v63  }
0x70: {  	_ =	swait.ge [sflag:s9], $0x80  }
0x71: {  	[sflag:s9] =	ssyncset.done $0x0  }
0x72: {  	s0 =	rddreg [dreg:$0x3];
	[sflag:s9] =	ssyncadd.s32 $0xFFFFFF80  }
0x73: {  	[tilespmem:s28], [sflag:$0x1] =	stream.indirect.gather [hbm4b:s0+s10], $0x1, s2, s10, $0xb8;
	[tilespmem:$0x8100] =	vst v63  }
0x74: {  	_ =	swait.ge [sflag:s26], $0x80  }
0x75: {  	p0 =	sne.s32 s31, $0x30;
	[sflag:s26] =	ssyncset.done $0x0  }
.Ltmp0:
0x76: {  	s0 =	sadd.s32 s31, s6;
	[sflag:s26] =	ssyncadd.s32 $0xFFFFFF80;
	(pc) =	sbr.rel @p0 .LBB2_2-.Ltmp0, $4  }
0x77: {  	[hbm4b:s0+s2] =	stream.linear.scatter [tilespmem:s28], [sflag:$0x2], $0x80, $0x38;
	[tilespmem:$0x8100] =	vst v63  }
0x78: {  	_ =	swait.ge [sflag:s9], $0x80  }
0x79: {  	[sflag:s9] =	ssyncset.done $0x0  }
0x7a: {  	s30 =	sadd.s32 $0x1000, s30;
	s31 =	sadd.s32 $0x10, s31;
	[sflag:s9] =	ssyncadd.s32 $0xFFFFFF80  }
0x7b: {  	s29 =	sadd.s32 $0x1, s29  }
0x7c: {  	p0 =	sne.s32 s29, s4  }
.Ltmp1:
0x7d: {  	_ = 	snop;
	(pc) =	sbr.rel @p0 .LBB2_1-.Ltmp1, $1  }
0x7e: {  	_ =	sdelay $0x3  }
0x7f: {  	_ =	sfence.sel $0x180000  }
0x80: {  	[bflag:$0x0] =	sbarrier.arrive $0xFFFF  }
0x81: {  	_ =	strace $0x90000050  }
0x82: {  	[bflag:$0x2] =	sbarrier.arrive $0xFFFF  }
0x83: {  	p0 =	sne.s32 s1, $0x0;
	s0 =	rddreg [dreg:$0x2]  }
0x84: {  	s0 =	sadd.s32 @!p0 $0x100000, s0  }
0x85: {  	[sflag:s0] =	ssyncadd.tile.s32 @!p0 $0x1;
	_ =	shalt  }
.Lfunc_end2:
_tile_overlayer_lowered:
.L_overlay_start_2:
0x86: {  	(tag) =	ssettag $0x2  }
0x87: {  	s0 =	rddreg [dreg:$0x0];
	s2 =	stileid.u32  }
0x88: {  	s1 =	rddreg [dreg:$0x1];
	p0 =	sne.s32 s2, $0x0  }
0x89: {  	s3 =	rddreg [dreg:$0x2];
	[bflag:$0x3] =	sbarrier.arrive $0xFFFF;
	s2 =	simm.s32 @!p0 $0x1C02  }
0x8a: {  	[timem:s3], [sflag:s2] =	dma.local @!p0 [hbm:s0], s1  }
0x8b: {  	s0 =	simm.s32 @!p0 $0x2  }
0x8c: {  	_ =	swait.ge @!p0 [sflag:s0], s1  }
0x8d: {  	s1 =	ssub.s32 @!p0 $0x0, s1;
	[sflag:s0] =	ssyncset.done @!p0 $0x0  }
0x8e: {  	[sflag:s0] =	ssyncadd.s32 @!p0 s1  }
0x8f: {  	[bflag:$0x3] =	sbarrier.arrive $0xFFFF  }
0x90: {  	_ =	shalt  }

</sc_bundles>
